<compile_context>
chip_gen: v7x
topology: tpu7x:2x2x1
jax: 0.10.2.dev20260603
libtpu: 0.0.44.dev20260713+nightly
codegen_flags: <defaults>
</compile_context>

<pallas_src>
import functools

import jax
import jax.numpy as jnp
from jax import lax
from jax.experimental import pallas as pl
from jax.experimental.pallas import tpu as pltpu
from jax.experimental.pallas import tpu_sc as plsc

N = 320000
D = 128
S = 10000
NC = 2
NS = 16
NW = NC * NS
RPT = N // NW
C = 80
G = RPT // C
NB = 3
SPT = S // NS
CW = 16


def _sc_body(x_hbm, ids_hbm, sums_hbm, cnt_hbm,
             acc_sh, cnt_sh, rows_v, ids_v, ones_v, zcnt_v, *sems):
    c = lax.axis_index("c")
    s = lax.axis_index("s")
    wid = c * NS + s
    row0 = wid * RPT

    gsems = sems[0:NB]
    isems = sems[NB:2 * NB]
    ssems = sems[2 * NB:3 * NB]
    osem = sems[3 * NB]

    def start(g, b):
        pltpu.async_copy(x_hbm.at[pl.ds(row0 + g * C, C)], rows_v.at[b],
                         gsems[b])
        pltpu.async_copy(ids_hbm.at[pl.ds(row0 + g * C, C)], ids_v.at[b, 0],
                         isems[b])

    def wait(g, b):
        pltpu.make_async_copy(x_hbm.at[pl.ds(row0 + g * C, C)],
                              rows_v.at[b], gsems[b]).wait()
        pltpu.make_async_copy(ids_hbm.at[pl.ds(row0 + g * C, C)],
                              ids_v.at[b, 0], isems[b]).wait()

    def fire(b):
        idx = ids_v.at[b, 0]
        pltpu.async_copy(rows_v.at[b], acc_sh.at[idx], ssems[b], add=True)
        pltpu.async_copy(ones_v, cnt_sh.at[idx], osem, add=True)

    def wait_scat(b):
        idx = ids_v.at[b, 0]
        pltpu.make_async_copy(rows_v.at[b], acc_sh.at[idx], ssems[b]).wait()

    def wait_ones(b):
        idx = ids_v.at[b, 0]
        pltpu.make_async_copy(ones_v, cnt_sh.at[idx], osem).wait()

    start(0, 0)

    def zrow(r, carry):
        for k in range(D // 16):
            rows_v[NB - 1, r, pl.ds(k * 16, 16)] = jnp.zeros((16,),
                                                             jnp.float32)
        ones_v[r, :] = jnp.full((16,), 1.0, jnp.float32)
        zcnt_v[r, :] = jnp.zeros((16,), jnp.float32)
        return carry
    lax.fori_loop(0, C, zrow, 0)

    for j in range(SPT // C):
        off = s * SPT + j * C
        pltpu.sync_copy(rows_v.at[NB - 1], acc_sh.at[pl.ds(off, C)])
        pltpu.sync_copy(zcnt_v, cnt_sh.at[pl.ds(off, C)])
    rem = SPT % C
    if rem:
        off = s * SPT + (SPT // C) * C
        pltpu.sync_copy(rows_v.at[NB - 1, pl.ds(0, rem)],
                        acc_sh.at[pl.ds(off, rem)])
        pltpu.sync_copy(zcnt_v.at[pl.ds(0, rem)], cnt_sh.at[pl.ds(off, rem)])
    plsc.subcore_barrier()

    start(1, 1)

    def body(g, b):
        wait(g, b)
        fire(b)

        @pl.when(g >= 1)
        def _():
            wait_ones(b)
            wait_scat((b + 2) % NB)

        @pl.when(g + 2 < G)
        def _():
            start(g + 2, (b + 2) % NB)

    def step(t, carry):
        for b in range(NB):
            body(t * NB + b, b)
        return carry
    lax.fori_loop(0, G // NB, step, 0)
    for g in range((G // NB) * NB, G):
        b = g % NB
        wait(g, b)
        fire(b)
        wait_ones(b)
        wait_scat((b + 2) % NB)
    wait_scat((G - 1) % NB)
    wait_ones(0)

    plsc.subcore_barrier()

    pltpu.sync_copy(acc_sh.at[pl.ds(s * SPT, SPT)],
                    sums_hbm.at[c, pl.ds(s * SPT, SPT)])
    pltpu.sync_copy(cnt_sh.at[pl.ds(s * SPT, SPT)],
                    cnt_hbm.at[c, pl.ds(s * SPT, SPT)])


_phase1 = functools.partial(
    pl.kernel,
    out_type=(jax.ShapeDtypeStruct((NC, S, D), jnp.float32),
              jax.ShapeDtypeStruct((NC, S, CW), jnp.float32)),
    mesh=plsc.VectorSubcoreMesh(core_axis_name="c", subcore_axis_name="s",
                                num_cores=NC, num_subcores=NS),
    scratch_types=[
        pltpu.VMEM_SHARED((S, D), jnp.float32),
        pltpu.VMEM_SHARED((S, CW), jnp.float32),
        pltpu.VMEM((NB, C, D), jnp.float32),
        pltpu.VMEM((NB, 1, C), jnp.int32),
        pltpu.VMEM((C, CW), jnp.float32),
        pltpu.VMEM((C, CW), jnp.float32),
    ] + [pltpu.SemaphoreType.DMA] * (3 * NB + 1),
    compiler_params=pltpu.CompilerParams(use_tc_tiling_on_sc=False),
)(_sc_body)


BS = 5000


def _div_body(sums_ref, cnt_ref, out_ref):
    sm = sums_ref[0] + sums_ref[1]
    ct = cnt_ref[0, :, :1] + cnt_ref[1, :, :1]
    out_ref[...] = sm / jnp.maximum(ct, 1.0)


def _phase2(sums, counts):
    return pl.pallas_call(
        _div_body,
        grid=(S // BS,),
        in_specs=[
            pl.BlockSpec((NC, BS, D), lambda i: (0, i, 0)),
            pl.BlockSpec((NC, BS, CW), lambda i: (0, i, 0)),
        ],
        out_specs=pl.BlockSpec((BS, D), lambda i: (i, 0)),
        out_shape=jax.ShapeDtypeStruct((S, D), jnp.float32),
    )(sums, counts)


def kernel(x, segment_ids, num_segments):
    del num_segments
    sums, counts = _phase1(x, segment_ids.astype(jnp.int32))
    return _phase2(sums, counts)

# --- scband reference (transcript-rebuilt; emitter-appended) ---
"""Pipeline reference for scband-sheaf-pooling-46909632807582 (READ-ONLY COPY).

The authoritative reference and input builder live on the scoring server;
editing this copy changes nothing except your own understanding.
"""

import jax, jax.numpy as jnp
import numpy as np

N = 320000
D = 128
S = 10000

def setup_inputs(seed: int = 0) -> dict:
    key = jax.random.key(seed)
    k1, k2 = jax.random.split(key)
    x = jax.random.normal(k1, (N, D), dtype=jnp.float32)
    segment_ids = jnp.sort(jax.random.randint(k2, (N,), 0, S)).astype(jnp.int64)
    return {"x": x, "segment_ids": segment_ids, "num_segments": S}

def reference(x, segment_ids, num_segments):
    # Faithful translation of SheafPooling with pooling_type='mean':
    # for each cluster (pooling_indices list), gather member rows of x and take the mean.
    # Dense-list-of-lists cluster membership is encoded as sorted segment_ids;
    # mean-per-cluster == segment_sum / per-segment counts.
    segment_ids = jnp.minimum(segment_ids, num_segments - 1)
    sums = jax.ops.segment_sum(x, segment_ids, num_segments=S)
    counts = jax.ops.segment_sum(jnp.ones((x.shape[0],), dtype=x.dtype), segment_ids, num_segments=S)
    pooled = sums / jnp.maximum(counts, 1.0)[:, None]
    return pooled

if __name__ == "__main__":
    import jax
    _d = setup_inputs()
    print(jax.jit(kernel)(*tuple(_d.values())))

</pallas_src>

<mosaic_0001>
#map = affine_map<(d0, d1) -> (0, 0)>
#map1 = affine_map<(d0, d1) -> (0)>
#map2 = affine_map<(d0, d1) -> (0, 0, 0)>
module attributes {stable_mosaic.version = 14 : i64} {
  func.func @_sc_body(%arg0: i32, %arg1: i32, %arg2: memref<320000x128xf32, #tpu.memory_space<hbm>>, %arg3: memref<320000xi32, #tpu.memory_space<hbm>>, %arg4: memref<2x10000x128xf32, #tpu.memory_space<hbm>>, %arg5: memref<2x10000x16xf32, #tpu.memory_space<hbm>>, %arg6: memref<10000x128xf32, #tpu.memory_space<vmem_shared>>, %arg7: memref<10000x16xf32, #tpu.memory_space<vmem_shared>>, %arg8: memref<3x80x128xf32, #tpu.memory_space<vmem>>, %arg9: memref<3x1x80xi32, #tpu.memory_space<vmem>>, %arg10: memref<80x16xf32, #tpu.memory_space<vmem>>, %arg11: memref<80x16xf32, #tpu.memory_space<vmem>>, %arg12: memref<!tpu.dma_semaphore, #tpu.memory_space<semaphore_mem>>, %arg13: memref<!tpu.dma_semaphore, #tpu.memory_space<semaphore_mem>>, %arg14: memref<!tpu.dma_semaphore, #tpu.memory_space<semaphore_mem>>, %arg15: memref<!tpu.dma_semaphore, #tpu.memory_space<semaphore_mem>>, %arg16: memref<!tpu.dma_semaphore, #tpu.memory_space<semaphore_mem>>, %arg17: memref<!tpu.dma_semaphore, #tpu.memory_space<semaphore_mem>>, %arg18: memref<!tpu.dma_semaphore, #tpu.memory_space<semaphore_mem>>, %arg19: memref<!tpu.dma_semaphore, #tpu.memory_space<semaphore_mem>>, %arg20: memref<!tpu.dma_semaphore, #tpu.memory_space<semaphore_mem>>, %arg21: memref<!tpu.dma_semaphore, #tpu.memory_space<semaphore_mem>>) attributes {dimension_semantics = [#tpu.dimension_semantics<core_parallel>, #tpu.dimension_semantics<subcore_parallel>], iteration_bounds = array<i64: 2, 16>, scalar_prefetch = 0 : i64, scratch_operands = 16 : i64, tpu.core_type = #tpu.core_type<sc_vector_subcore>, window_params = [{transform_indices = #map}, {transform_indices = #map1}, {transform_indices = #map2}, {transform_indices = #map2}]} {
    %mul3A = arith.constant 16 : i32
    %mul3A_0 = arith.muli %arg0, %mul3A : i32
    %add3A = arith.addi %mul3A_0, %arg1 : i32
    %mul3A_1 = arith.constant 10000 : i32
    %mul3A_2 = arith.muli %add3A, %mul3A_1 : i32
    %add3A_3 = arith.constant 0 : i32
    %add3A_4 = arith.addi %mul3A_2, %add3A_3 : i32
    %dma_start3A = arith.constant 0 : i32
    %dma_start3A_5 = arith.constant 0 : i32
    %dma_start3A_6 = arith.constant 0 : i32
    %dma_start3A_7 = tpu.memref_slice %arg8[%dma_start3A, %dma_start3A_5, %dma_start3A_6] : memref<3x80x128xf32, #tpu.memory_space<vmem>> -> memref<1x80x128xf32, #tpu.memory_space<vmem>>
    %dma_start3A_8 = tpu.memref_squeeze %dma_start3A_7 : memref<1x80x128xf32, #tpu.memory_space<vmem>> -> memref<80x128xf32, #tpu.memory_space<vmem>>
    %dma_start3A_9 = arith.constant 0 : i32
    %dma_start3A_10 = tpu.memref_slice %arg2[%add3A_4, %dma_start3A_9] : memref<320000x128xf32, #tpu.memory_space<hbm>> -> memref<80x128xf32, #tpu.memory_space<hbm>>
    %dma_start3A_11 = arith.constant 0 : i32
    %dma_start3A_12 = arith.constant 0 : i32
    %dma_start3A_13 = tpu.memref_slice %arg8[%dma_start3A, %dma_start3A_11, %dma_start3A_12] : memref<3x80x128xf32, #tpu.memory_space<vmem>> -> memref<1x80x128xf32, #tpu.memory_space<vmem>>
    %dma_start3A_14 = tpu.memref_squeeze %dma_start3A_13 : memref<1x80x128xf32, #tpu.memory_space<vmem>> -> memref<80x128xf32, #tpu.memory_space<vmem>>
    %dma_start3A_15 = arith.constant 0 : i32
    %dma_start3A_16 = tpu.memref_slice %arg2[%add3A_4, %dma_start3A_15] : memref<320000x128xf32, #tpu.memory_space<hbm>> -> memref<80x128xf32, #tpu.memory_space<hbm>>
    tpu.enqueue_dma source(%dma_start3A_16 : memref<80x128xf32, #tpu.memory_space<hbm>>) target(%dma_start3A_14 : memref<80x128xf32, #tpu.memory_space<vmem>>) target_semaphore(%arg12 : memref<!tpu.dma_semaphore, #tpu.memory_space<semaphore_mem>>)
    %add3A_17 = arith.constant 0 : i32
    %add3A_18 = arith.addi %mul3A_2, %add3A_17 : i32
    %dma_start3A_19 = arith.constant 0 : i32
    %dma_start3A_20 = arith.constant 0 : i32
    %dma_start3A_21 = arith.constant 0 : i32
    %dma_start3A_22 = tpu.memref_slice %arg9[%dma_start3A_19, %dma_start3A_20, %dma_start3A_21] : memref<3x1x80xi32, #tpu.memory_space<vmem>> -> memref<1x1x80xi32, #tpu.memory_space<vmem>>
    %dma_start3A_23 = tpu.memref_squeeze %dma_start3A_22 : memref<1x1x80xi32, #tpu.memory_space<vmem>> -> memref<80xi32, #tpu.memory_space<vmem>>
    %dma_start3A_24 = tpu.memref_slice %arg3[%add3A_18] : memref<320000xi32, #tpu.memory_space<hbm>> -> memref<80xi32, #tpu.memory_space<hbm>>
    %dma_start3A_25 = arith.constant 0 : i32
    %dma_start3A_26 = tpu.memref_slice %arg9[%dma_start3A_19, %dma_start3A_20, %dma_start3A_25] : memref<3x1x80xi32, #tpu.memory_space<vmem>> -> memref<1x1x80xi32, #tpu.memory_space<vmem>>
    %dma_start3A_27 = tpu.memref_squeeze %dma_start3A_26 : memref<1x1x80xi32, #tpu.memory_space<vmem>> -> memref<80xi32, #tpu.memory_space<vmem>>
    %dma_start3A_28 = tpu.memref_slice %arg3[%add3A_18] : memref<320000xi32, #tpu.memory_space<hbm>> -> memref<80xi32, #tpu.memory_space<hbm>>
    tpu.enqueue_dma source(%dma_start3A_28 : memref<80xi32, #tpu.memory_space<hbm>>) target(%dma_start3A_27 : memref<80xi32, #tpu.memory_space<vmem>>) target_semaphore(%arg15 : memref<!tpu.dma_semaphore, #tpu.memory_space<semaphore_mem>>)
    %scan3A = arith.constant 0 : i32
    %scan3A_29 = arith.constant 0 : i32
    %scan3A_30 = arith.constant 80 : i32
    %scan3A_31 = arith.addi %scan3A_29, %scan3A_30 : i32
    %scan3A_32 = arith.constant 1 : i32
    scf.for %scan3A_273 = %scan3A_29 to %scan3A_31 step %scan3A_32  : i32 {
      %broadcast_in_dim3A = arith.constant 0.000000e+00 : f32
      %broadcast_in_dim3A_274 = vector.broadcast %broadcast_in_dim3A : f32 to vector<16xf32>
      %swap3A = arith.constant 2 : i32
      %swap3A_275 = arith.index_cast %swap3A : i32 to index
      %swap3A_276 = arith.index_cast %scan3A_273 : i32 to index
      %swap3A_277 = arith.constant 0 : index
      %swap3A_278 = tpu.vector_load %arg8[%swap3A_275, %swap3A_276, %swap3A_277] {strides = array<i32>} : memref<3x80x128xf32, #tpu.memory_space<vmem>>, vector<1x1x16xf32>,
      %swap3A_279 = vector.shape_cast %swap3A_278 : vector<1x1x16xf32> to vector<16xf32>
      %swap3A_280 = vector.shape_cast %broadcast_in_dim3A_274 : vector<16xf32> to vector<1x1x16xf32>
      tpu.vector_store %arg8[%swap3A_275, %swap3A_276, %swap3A_277], %swap3A_280 {strides = array<i32>} : memref<3x80x128xf32, #tpu.memory_space<vmem>>, vector<1x1x16xf32>,
      %broadcast_in_dim3A_281 = arith.constant 0.000000e+00 : f32
      %broadcast_in_dim3A_282 = vector.broadcast %broadcast_in_dim3A_281 : f32 to vector<16xf32>
      %swap3A_283 = arith.constant 2 : i32
      %swap3A_284 = arith.index_cast %swap3A_283 : i32 to index
      %swap3A_285 = arith.index_cast %scan3A_273 : i32 to index
      %swap3A_286 = arith.constant 16 : index
      %swap3A_287 = tpu.vector_load %arg8[%swap3A_284, %swap3A_285, %swap3A_286] {strides = array<i32>} : memref<3x80x128xf32, #tpu.memory_space<vmem>>, vector<1x1x16xf32>,
      %swap3A_288 = vector.shape_cast %swap3A_287 : vector<1x1x16xf32> to vector<16xf32>
      %swap3A_289 = vector.shape_cast %broadcast_in_dim3A_282 : vector<16xf32> to vector<1x1x16xf32>
      tpu.vector_store %arg8[%swap3A_284, %swap3A_285, %swap3A_286], %swap3A_289 {strides = array<i32>} : memref<3x80x128xf32, #tpu.memory_space<vmem>>, vector<1x1x16xf32>,
      %broadcast_in_dim3A_290 = arith.constant 0.000000e+00 : f32
      %broadcast_in_dim3A_291 = vector.broadcast %broadcast_in_dim3A_290 : f32 to vector<16xf32>
      %swap3A_292 = arith.constant 2 : i32
      %swap3A_293 = arith.index_cast %swap3A_292 : i32 to index
      %swap3A_294 = arith.index_cast %scan3A_273 : i32 to index
      %swap3A_295 = arith.constant 32 : index
      %swap3A_296 = tpu.vector_load %arg8[%swap3A_293, %swap3A_294, %swap3A_295] {strides = array<i32>} : memref<3x80x128xf32, #tpu.memory_space<vmem>>, vector<1x1x16xf32>,
      %swap3A_297 = vector.shape_cast %swap3A_296 : vector<1x1x16xf32> to vector<16xf32>
      %swap3A_298 = vector.shape_cast %broadcast_in_dim3A_291 : vector<16xf32> to vector<1x1x16xf32>
      tpu.vector_store %arg8[%swap3A_293, %swap3A_294, %swap3A_295], %swap3A_298 {strides = array<i32>} : memref<3x80x128xf32, #tpu.memory_space<vmem>>, vector<1x1x16xf32>,
      %broadcast_in_dim3A_299 = arith.constant 0.000000e+00 : f32
      %broadcast_in_dim3A_300 = vector.broadcast %broadcast_in_dim3A_299 : f32 to vector<16xf32>
      %swap3A_301 = arith.constant 2 : i32
      %swap3A_302 = arith.index_cast %swap3A_301 : i32 to index
      %swap3A_303 = arith.index_cast %scan3A_273 : i32 to index
      %swap3A_304 = arith.constant 48 : index
      %swap3A_305 = tpu.vector_load %arg8[%swap3A_302, %swap3A_303, %swap3A_304] {strides = array<i32>} : memref<3x80x128xf32, #tpu.memory_space<vmem>>, vector<1x1x16xf32>,
      %swap3A_306 = vector.shape_cast %swap3A_305 : vector<1x1x16xf32> to vector<16xf32>
      %swap3A_307 = vector.shape_cast %broadcast_in_dim3A_300 : vector<16xf32> to vector<1x1x16xf32>
      tpu.vector_store %arg8[%swap3A_302, %swap3A_303, %swap3A_304], %swap3A_307 {strides = array<i32>} : memref<3x80x128xf32, #tpu.memory_space<vmem>>, vector<1x1x16xf32>,
      %broadcast_in_dim3A_308 = arith.constant 0.000000e+00 : f32
      %broadcast_in_dim3A_309 = vector.broadcast %broadcast_in_dim3A_308 : f32 to vector<16xf32>
      %swap3A_310 = arith.constant 2 : i32
      %swap3A_311 = arith.index_cast %swap3A_310 : i32 to index
      %swap3A_312 = arith.index_cast %scan3A_273 : i32 to index
      %swap3A_313 = arith.constant 64 : index
      %swap3A_314 = tpu.vector_load %arg8[%swap3A_311, %swap3A_312, %swap3A_313] {strides = array<i32>} : memref<3x80x128xf32, #tpu.memory_space<vmem>>, vector<1x1x16xf32>,
      %swap3A_315 = vector.shape_cast %swap3A_314 : vector<1x1x16xf32> to vector<16xf32>
      %swap3A_316 = vector.shape_cast %broadcast_in_dim3A_309 : vector<16xf32> to vector<1x1x16xf32>
      tpu.vector_store %arg8[%swap3A_311, %swap3A_312, %swap3A_313], %swap3A_316 {strides = array<i32>} : memref<3x80x128xf32, #tpu.memory_space<vmem>>, vector<1x1x16xf32>,
      %broadcast_in_dim3A_317 = arith.constant 0.000000e+00 : f32
      %broadcast_in_dim3A_318 = vector.broadcast %broadcast_in_dim3A_317 : f32 to vector<16xf32>
      %swap3A_319 = arith.constant 2 : i32
      %swap3A_320 = arith.index_cast %swap3A_319 : i32 to index
      %swap3A_321 = arith.index_cast %scan3A_273 : i32 to index
      %swap3A_322 = arith.constant 80 : index
      %swap3A_323 = tpu.vector_load %arg8[%swap3A_320, %swap3A_321, %swap3A_322] {strides = array<i32>} : memref<3x80x128xf32, #tpu.memory_space<vmem>>, vector<1x1x16xf32>,
      %swap3A_324 = vector.shape_cast %swap3A_323 : vector<1x1x16xf32> to vector<16xf32>
      %swap3A_325 = vector.shape_cast %broadcast_in_dim3A_318 : vector<16xf32> to vector<1x1x16xf32>
      tpu.vector_store %arg8[%swap3A_320, %swap3A_321, %swap3A_322], %swap3A_325 {strides = array<i32>} : memref<3x80x128xf32, #tpu.memory_space<vmem>>, vector<1x1x16xf32>,
      %broadcast_in_dim3A_326 = arith.constant 0.000000e+00 : f32
      %broadcast_in_dim3A_327 = vector.broadcast %broadcast_in_dim3A_326 : f32 to vector<16xf32>
      %swap3A_328 = arith.constant 2 : i32
      %swap3A_329 = arith.index_cast %swap3A_328 : i32 to index
      %swap3A_330 = arith.index_cast %scan3A_273 : i32 to index
      %swap3A_331 = arith.constant 96 : index
      %swap3A_332 = tpu.vector_load %arg8[%swap3A_329, %swap3A_330, %swap3A_331] {strides = array<i32>} : memref<3x80x128xf32, #tpu.memory_space<vmem>>, vector<1x1x16xf32>,
      %swap3A_333 = vector.shape_cast %swap3A_332 : vector<1x1x16xf32> to vector<16xf32>
      %swap3A_334 = vector.shape_cast %broadcast_in_dim3A_327 : vector<16xf32> to vector<1x1x16xf32>
      tpu.vector_store %arg8[%swap3A_329, %swap3A_330, %swap3A_331], %swap3A_334 {strides = array<i32>} : memref<3x80x128xf32, #tpu.memory_space<vmem>>, vector<1x1x16xf32>,
      %broadcast_in_dim3A_335 = arith.constant 0.000000e+00 : f32
      %broadcast_in_dim3A_336 = vector.broadcast %broadcast_in_dim3A_335 : f32 to vector<16xf32>
      %swap3A_337 = arith.constant 2 : i32
      %swap3A_338 = arith.index_cast %swap3A_337 : i32 to index
      %swap3A_339 = arith.index_cast %scan3A_273 : i32 to index
      %swap3A_340 = arith.constant 112 : index
      %swap3A_341 = tpu.vector_load %arg8[%swap3A_338, %swap3A_339, %swap3A_340] {strides = array<i32>} : memref<3x80x128xf32, #tpu.memory_space<vmem>>, vector<1x1x16xf32>,
      %swap3A_342 = vector.shape_cast %swap3A_341 : vector<1x1x16xf32> to vector<16xf32>
      %swap3A_343 = vector.shape_cast %broadcast_in_dim3A_336 : vector<16xf32> to vector<1x1x16xf32>
      tpu.vector_store %arg8[%swap3A_338, %swap3A_339, %swap3A_340], %swap3A_343 {strides = array<i32>} : memref<3x80x128xf32, #tpu.memory_space<vmem>>, vector<1x1x16xf32>,
      %broadcast_in_dim3A_344 = arith.constant 1.000000e+00 : f32
      %broadcast_in_dim3A_345 = vector.broadcast %broadcast_in_dim3A_344 : f32 to vector<16xf32>
      %swap3A_346 = arith.index_cast %scan3A_273 : i32 to index
      %swap3A_347 = arith.constant 0 : index
      %swap3A_348 = tpu.vector_load %arg10[%swap3A_346, %swap3A_347] {strides = array<i32>} : memref<80x16xf32, #tpu.memory_space<vmem>>, vector<1x16xf32>,
      %swap3A_349 = vector.shape_cast %swap3A_348 : vector<1x16xf32> to vector<16xf32>
      %swap3A_350 = vector.shape_cast %broadcast_in_dim3A_345 : vector<16xf32> to vector<1x16xf32>
      tpu.vector_store %arg10[%swap3A_346, %swap3A_347], %swap3A_350 {strides = array<i32>} : memref<80x16xf32, #tpu.memory_space<vmem>>, vector<1x16xf32>,
      %broadcast_in_dim3A_351 = arith.constant 0.000000e+00 : f32
      %broadcast_in_dim3A_352 = vector.broadcast %broadcast_in_dim3A_351 : f32 to vector<16xf32>
      %swap3A_353 = arith.index_cast %scan3A_273 : i32 to index
      %swap3A_354 = arith.constant 0 : index
      %swap3A_355 = tpu.vector_load %arg11[%swap3A_353, %swap3A_354] {strides = array<i32>} : memref<80x16xf32, #tpu.memory_space<vmem>>, vector<1x16xf32>,
      %swap3A_356 = vector.shape_cast %swap3A_355 : vector<1x16xf32> to vector<16xf32>
      %swap3A_357 = vector.shape_cast %broadcast_in_dim3A_352 : vector<16xf32> to vector<1x16xf32>
      tpu.vector_store %arg11[%swap3A_353, %swap3A_354], %swap3A_357 {strides = array<i32>} : memref<80x16xf32, #tpu.memory_space<vmem>>, vector<1x16xf32>,
    }
    %scan3A_33 = arith.constant 80 : i32
    %mul3A_34 = arith.constant 625 : i32
    %mul3A_35 = arith.muli %arg1, %mul3A_34 : i32
    %add3A_36 = arith.constant 0 : i32
    %add3A_37 = arith.addi %mul3A_35, %add3A_36 : i32
    %run_scoped3A = arith.constant 2 : i32
    "tpu.region"() ({
      %run_scoped3A_273 = tpu.sem_alloc : memref<!tpu.dma_semaphore, #tpu.memory_space<semaphore_mem>>
      %dma_start3A_274 = arith.constant 0 : i32
      %dma_start3A_275 = arith.constant 0 : i32
      %dma_start3A_276 = tpu.memref_slice %arg8[%run_scoped3A, %dma_start3A_274, %dma_start3A_275] : memref<3x80x128xf32, #tpu.memory_space<vmem>> -> memref<1x80x128xf32, #tpu.memory_space<vmem>>
      %dma_start3A_277 = tpu.memref_squeeze %dma_start3A_276 : memref<1x80x128xf32, #tpu.memory_space<vmem>> -> memref<80x128xf32, #tpu.memory_space<vmem>>
      %dma_start3A_278 = arith.constant 0 : i32
      %dma_start3A_279 = tpu.memref_slice %arg6[%add3A_37, %dma_start3A_278] : memref<10000x128xf32, #tpu.memory_space<vmem_shared>> -> memref<80x128xf32, #tpu.memory_space<vmem_shared>>
      %dma_start3A_280 = arith.constant 0 : i32
      %dma_start3A_281 = tpu.memref_slice %arg6[%add3A_37, %dma_start3A_280] : memref<10000x128xf32, #tpu.memory_space<vmem_shared>> -> memref<80x128xf32, #tpu.memory_space<vmem_shared>>
      %dma_start3A_282 = arith.constant 0 : i32
      %dma_start3A_283 = arith.constant 0 : i32
      %dma_start3A_284 = tpu.memref_slice %arg8[%run_scoped3A, %dma_start3A_282, %dma_start3A_283] : memref<3x80x128xf32, #tpu.memory_space<vmem>> -> memref<1x80x128xf32, #tpu.memory_space<vmem>>
      %dma_start3A_285 = tpu.memref_squeeze %dma_start3A_284 : memref<1x80x128xf32, #tpu.memory_space<vmem>> -> memref<80x128xf32, #tpu.memory_space<vmem>>
      tpu.enqueue_dma source(%dma_start3A_285 : memref<80x128xf32, #tpu.memory_space<vmem>>) target(%dma_start3A_281 : memref<80x128xf32, #tpu.memory_space<vmem_shared>>) target_semaphore(%run_scoped3A_273 : memref<!tpu.dma_semaphore, #tpu.memory_space<semaphore_mem>>)
      %dma_wait3A_286 = arith.constant 0 : i32
      %dma_wait3A_287 = arith.constant 0 : i32
      %dma_wait3A_288 = tpu.memref_slice %arg8[%run_scoped3A, %dma_wait3A_286, %dma_wait3A_287] : memref<3x80x128xf32, #tpu.memory_space<vmem>> -> memref<1x80x128xf32, #tpu.memory_space<vmem>>
      %dma_wait3A_289 = tpu.memref_squeeze %dma_wait3A_288 : memref<1x80x128xf32, #tpu.memory_space<vmem>> -> memref<80x128xf32, #tpu.memory_space<vmem>>
      %dma_wait3A_290 = arith.constant 0 : i32
      %dma_wait3A_291 = tpu.memref_slice %arg6[%add3A_37, %dma_wait3A_290] : memref<10000x128xf32, #tpu.memory_space<vmem_shared>> -> memref<80x128xf32, #tpu.memory_space<vmem_shared>>
      %dma_wait3A_292 = arith.constant 0 : i32
      %dma_wait3A_293 = tpu.memref_slice %arg6[%add3A_37, %dma_wait3A_292] : memref<10000x128xf32, #tpu.memory_space<vmem_shared>> -> memref<80x128xf32, #tpu.memory_space<vmem_shared>>
      %dma_wait3A_294 = arith.constant 0 : i32
      %dma_wait3A_295 = arith.constant 0 : i32
      %dma_wait3A_296 = tpu.memref_slice %arg8[%run_scoped3A, %dma_wait3A_294, %dma_wait3A_295] : memref<3x80x128xf32, #tpu.memory_space<vmem>> -> memref<1x80x128xf32, #tpu.memory_space<vmem>>
      %dma_wait3A_297 = tpu.memref_squeeze %dma_wait3A_296 : memref<1x80x128xf32, #tpu.memory_space<vmem>> -> memref<80x128xf32, #tpu.memory_space<vmem>>
      tpu.wait_dma2 semaphore(%run_scoped3A_273 : memref<!tpu.dma_semaphore, #tpu.memory_space<semaphore_mem>>) src(%dma_wait3A_297 : memref<80x128xf32, #tpu.memory_space<vmem>>) dst(%dma_wait3A_293 : memref<80x128xf32, #tpu.memory_space<vmem_shared>>)
      tpu.yield
    }) : () -> ()
    "tpu.region"() ({
      %run_scoped3A_273 = tpu.sem_alloc : memref<!tpu.dma_semaphore, #tpu.memory_space<semaphore_mem>>
      %dma_start3A_274 = arith.constant 0 : i32
      %dma_start3A_275 = tpu.memref_slice %arg7[%add3A_37, %dma_start3A_274] : memref<10000x16xf32, #tpu.memory_space<vmem_shared>> -> memref<80x16xf32, #tpu.memory_space<vmem_shared>>
      %dma_start3A_276 = arith.constant 0 : i32
      %dma_start3A_277 = tpu.memref_slice %arg7[%add3A_37, %dma_start3A_276] : memref<10000x16xf32, #tpu.memory_space<vmem_shared>> -> memref<80x16xf32, #tpu.memory_space<vmem_shared>>
      tpu.enqueue_dma source(%arg11 : memref<80x16xf32, #tpu.memory_space<vmem>>) target(%dma_start3A_277 : memref<80x16xf32, #tpu.memory_space<vmem_shared>>) target_semaphore(%run_scoped3A_273 : memref<!tpu.dma_semaphore, #tpu.memory_space<semaphore_mem>>)
      %dma_wait3A_278 = arith.constant 0 : i32
      %dma_wait3A_279 = tpu.memref_slice %arg7[%add3A_37, %dma_wait3A_278] : memref<10000x16xf32, #tpu.memory_space<vmem_shared>> -> memref<80x16xf32, #tpu.memory_space<vmem_shared>>
      %dma_wait3A_280 = arith.constant 0 : i32
      %dma_wait3A_281 = tpu.memref_slice %arg7[%add3A_37, %dma_wait3A_280] : memref<10000x16xf32, #tpu.memory_space<vmem_shared>> -> memref<80x16xf32, #tpu.memory_space<vmem_shared>>
      tpu.wait_dma2 semaphore(%run_scoped3A_273 : memref<!tpu.dma_semaphore, #tpu.memory_space<semaphore_mem>>) src(%arg11 : memref<80x16xf32, #tpu.memory_space<vmem>>) dst(%dma_wait3A_281 : memref<80x16xf32, #tpu.memory_space<vmem_shared>>)
      tpu.yield
    }) : () -> ()
    %mul3A_38 = arith.constant 625 : i32
    %mul3A_39 = arith.muli %arg1, %mul3A_38 : i32
    %add3A_40 = arith.constant 80 : i32
    %add3A_41 = arith.addi %mul3A_39, %add3A_40 : i32
    %run_scoped3A_42 = arith.constant 2 : i32
    "tpu.region"() ({
      %run_scoped3A_273 = tpu.sem_alloc : memref<!tpu.dma_semaphore, #tpu.memory_space<semaphore_mem>>
      %dma_start3A_274 = arith.constant 0 : i32
      %dma_start3A_275 = arith.constant 0 : i32
      %dma_start3A_276 = tpu.memref_slice %arg8[%run_scoped3A_42, %dma_start3A_274, %dma_start3A_275] : memref<3x80x128xf32, #tpu.memory_space<vmem>> -> memref<1x80x128xf32, #tpu.memory_space<vmem>>
      %dma_start3A_277 = tpu.memref_squeeze %dma_start3A_276 : memref<1x80x128xf32, #tpu.memory_space<vmem>> -> memref<80x128xf32, #tpu.memory_space<vmem>>
      %dma_start3A_278 = arith.constant 0 : i32
      %dma_start3A_279 = tpu.memref_slice %arg6[%add3A_41, %dma_start3A_278] : memref<10000x128xf32, #tpu.memory_space<vmem_shared>> -> memref<80x128xf32, #tpu.memory_space<vmem_shared>>
      %dma_start3A_280 = arith.constant 0 : i32
      %dma_start3A_281 = tpu.memref_slice %arg6[%add3A_41, %dma_start3A_280] : memref<10000x128xf32, #tpu.memory_space<vmem_shared>> -> memref<80x128xf32, #tpu.memory_space<vmem_shared>>
      %dma_start3A_282 = arith.constant 0 : i32
      %dma_start3A_283 = arith.constant 0 : i32
      %dma_start3A_284 = tpu.memref_slice %arg8[%run_scoped3A_42, %dma_start3A_282, %dma_start3A_283] : memref<3x80x128xf32, #tpu.memory_space<vmem>> -> memref<1x80x128xf32, #tpu.memory_space<vmem>>
      %dma_start3A_285 = tpu.memref_squeeze %dma_start3A_284 : memref<1x80x128xf32, #tpu.memory_space<vmem>> -> memref<80x128xf32, #tpu.memory_space<vmem>>
      tpu.enqueue_dma source(%dma_start3A_285 : memref<80x128xf32, #tpu.memory_space<vmem>>) target(%dma_start3A_281 : memref<80x128xf32, #tpu.memory_space<vmem_shared>>) target_semaphore(%run_scoped3A_273 : memref<!tpu.dma_semaphore, #tpu.memory_space<semaphore_mem>>)
      %dma_wait3A_286 = arith.constant 0 : i32
      %dma_wait3A_287 = arith.constant 0 : i32
      %dma_wait3A_288 = tpu.memref_slice %arg8[%run_scoped3A_42, %dma_wait3A_286, %dma_wait3A_287] : memref<3x80x128xf32, #tpu.memory_space<vmem>> -> memref<1x80x128xf32, #tpu.memory_space<vmem>>
      %dma_wait3A_289 = tpu.memref_squeeze %dma_wait3A_288 : memref<1x80x128xf32, #tpu.memory_space<vmem>> -> memref<80x128xf32, #tpu.memory_space<vmem>>
      %dma_wait3A_290 = arith.constant 0 : i32
      %dma_wait3A_291 = tpu.memref_slice %arg6[%add3A_41, %dma_wait3A_290] : memref<10000x128xf32, #tpu.memory_space<vmem_shared>> -> memref<80x128xf32, #tpu.memory_space<vmem_shared>>
      %dma_wait3A_292 = arith.constant 0 : i32
      %dma_wait3A_293 = tpu.memref_slice %arg6[%add3A_41, %dma_wait3A_292] : memref<10000x128xf32, #tpu.memory_space<vmem_shared>> -> memref<80x128xf32, #tpu.memory_space<vmem_shared>>
      %dma_wait3A_294 = arith.constant 0 : i32
      %dma_wait3A_295 = arith.constant 0 : i32
      %dma_wait3A_296 = tpu.memref_slice %arg8[%run_scoped3A_42, %dma_wait3A_294, %dma_wait3A_295] : memref<3x80x128xf32, #tpu.memory_space<vmem>> -> memref<1x80x128xf32, #tpu.memory_space<vmem>>
      %dma_wait3A_297 = tpu.memref_squeeze %dma_wait3A_296 : memref<1x80x128xf32, #tpu.memory_space<vmem>> -> memref<80x128xf32, #tpu.memory_space<vmem>>
      tpu.wait_dma2 semaphore(%run_scoped3A_273 : memref<!tpu.dma_semaphore, #tpu.memory_space<semaphore_mem>>) src(%dma_wait3A_297 : memref<80x128xf32, #tpu.memory_space<vmem>>) dst(%dma_wait3A_293 : memref<80x128xf32, #tpu.memory_space<vmem_shared>>)
      tpu.yield
    }) : () -> ()
    "tpu.region"() ({
      %run_scoped3A_273 = tpu.sem_alloc : memref<!tpu.dma_semaphore, #tpu.memory_space<semaphore_mem>>
      %dma_start3A_274 = arith.constant 0 : i32
      %dma_start3A_275 = tpu.memref_slice %arg7[%add3A_41, %dma_start3A_274] : memref<10000x16xf32, #tpu.memory_space<vmem_shared>> -> memref<80x16xf32, #tpu.memory_space<vmem_shared>>
      %dma_start3A_276 = arith.constant 0 : i32
      %dma_start3A_277 = tpu.memref_slice %arg7[%add3A_41, %dma_start3A_276] : memref<10000x16xf32, #tpu.memory_space<vmem_shared>> -> memref<80x16xf32, #tpu.memory_space<vmem_shared>>
      tpu.enqueue_dma source(%arg11 : memref<80x16xf32, #tpu.memory_space<vmem>>) target(%dma_start3A_277 : memref<80x16xf32, #tpu.memory_space<vmem_shared>>) target_semaphore(%run_scoped3A_273 : memref<!tpu.dma_semaphore, #tpu.memory_space<semaphore_mem>>)
      %dma_wait3A_278 = arith.constant 0 : i32
      %dma_wait3A_279 = tpu.memref_slice %arg7[%add3A_41, %dma_wait3A_278] : memref<10000x16xf32, #tpu.memory_space<vmem_shared>> -> memref<80x16xf32, #tpu.memory_space<vmem_shared>>
      %dma_wait3A_280 = arith.constant 0 : i32
      %dma_wait3A_281 = tpu.memref_slice %arg7[%add3A_41, %dma_wait3A_280] : memref<10000x16xf32, #tpu.memory_space<vmem_shared>> -> memref<80x16xf32, #tpu.memory_space<vmem_shared>>
      tpu.wait_dma2 semaphore(%run_scoped3A_273 : memref<!tpu.dma_semaphore, #tpu.memory_space<semaphore_mem>>) src(%arg11 : memref<80x16xf32, #tpu.memory_space<vmem>>) dst(%dma_wait3A_281 : memref<80x16xf32, #tpu.memory_space<vmem_shared>>)
      tpu.yield
    }) : () -> ()
    %mul3A_43 = arith.constant 625 : i32
    %mul3A_44 = arith.muli %arg1, %mul3A_43 : i32
    %add3A_45 = arith.constant 160 : i32
    %add3A_46 = arith.addi %mul3A_44, %add3A_45 : i32
    %run_scoped3A_47 = arith.constant 2 : i32
    "tpu.region"() ({
      %run_scoped3A_273 = tpu.sem_alloc : memref<!tpu.dma_semaphore, #tpu.memory_space<semaphore_mem>>
      %dma_start3A_274 = arith.constant 0 : i32
      %dma_start3A_275 = arith.constant 0 : i32
      %dma_start3A_276 = tpu.memref_slice %arg8[%run_scoped3A_47, %dma_start3A_274, %dma_start3A_275] : memref<3x80x128xf32, #tpu.memory_space<vmem>> -> memref<1x80x128xf32, #tpu.memory_space<vmem>>
      %dma_start3A_277 = tpu.memref_squeeze %dma_start3A_276 : memref<1x80x128xf32, #tpu.memory_space<vmem>> -> memref<80x128xf32, #tpu.memory_space<vmem>>
      %dma_start3A_278 = arith.constant 0 : i32
      %dma_start3A_279 = tpu.memref_slice %arg6[%add3A_46, %dma_start3A_278] : memref<10000x128xf32, #tpu.memory_space<vmem_shared>> -> memref<80x128xf32, #tpu.memory_space<vmem_shared>>
      %dma_start3A_280 = arith.constant 0 : i32
      %dma_start3A_281 = tpu.memref_slice %arg6[%add3A_46, %dma_start3A_280] : memref<10000x128xf32, #tpu.memory_space<vmem_shared>> -> memref<80x128xf32, #tpu.memory_space<vmem_shared>>
      %dma_start3A_282 = arith.constant 0 : i32
      %dma_start3A_283 = arith.constant 0 : i32
      %dma_start3A_284 = tpu.memref_slice %arg8[%run_scoped3A_47, %dma_start3A_282, %dma_start3A_283] : memref<3x80x128xf32, #tpu.memory_space<vmem>> -> memref<1x80x128xf32, #tpu.memory_space<vmem>>
      %dma_start3A_285 = tpu.memref_squeeze %dma_start3A_284 : memref<1x80x128xf32, #tpu.memory_space<vmem>> -> memref<80x128xf32, #tpu.memory_space<vmem>>
      tpu.enqueue_dma source(%dma_start3A_285 : memref<80x128xf32, #tpu.memory_space<vmem>>) target(%dma_start3A_281 : memref<80x128xf32, #tpu.memory_space<vmem_shared>>) target_semaphore(%run_scoped3A_273 : memref<!tpu.dma_semaphore, #tpu.memory_space<semaphore_mem>>)
      %dma_wait3A_286 = arith.constant 0 : i32
      %dma_wait3A_287 = arith.constant 0 : i32
      %dma_wait3A_288 = tpu.memref_slice %arg8[%run_scoped3A_47, %dma_wait3A_286, %dma_wait3A_287] : memref<3x80x128xf32, #tpu.memory_space<vmem>> -> memref<1x80x128xf32, #tpu.memory_space<vmem>>
      %dma_wait3A_289 = tpu.memref_squeeze %dma_wait3A_288 : memref<1x80x128xf32, #tpu.memory_space<vmem>> -> memref<80x128xf32, #tpu.memory_space<vmem>>
      %dma_wait3A_290 = arith.constant 0 : i32
      %dma_wait3A_291 = tpu.memref_slice %arg6[%add3A_46, %dma_wait3A_290] : memref<10000x128xf32, #tpu.memory_space<vmem_shared>> -> memref<80x128xf32, #tpu.memory_space<vmem_shared>>
      %dma_wait3A_292 = arith.constant 0 : i32
      %dma_wait3A_293 = tpu.memref_slice %arg6[%add3A_46, %dma_wait3A_292] : memref<10000x128xf32, #tpu.memory_space<vmem_shared>> -> memref<80x128xf32, #tpu.memory_space<vmem_shared>>
      %dma_wait3A_294 = arith.constant 0 : i32
      %dma_wait3A_295 = arith.constant 0 : i32
      %dma_wait3A_296 = tpu.memref_slice %arg8[%run_scoped3A_47, %dma_wait3A_294, %dma_wait3A_295] : memref<3x80x128xf32, #tpu.memory_space<vmem>> -> memref<1x80x128xf32, #tpu.memory_space<vmem>>
      %dma_wait3A_297 = tpu.memref_squeeze %dma_wait3A_296 : memref<1x80x128xf32, #tpu.memory_space<vmem>> -> memref<80x128xf32, #tpu.memory_space<vmem>>
      tpu.wait_dma2 semaphore(%run_scoped3A_273 : memref<!tpu.dma_semaphore, #tpu.memory_space<semaphore_mem>>) src(%dma_wait3A_297 : memref<80x128xf32, #tpu.memory_space<vmem>>) dst(%dma_wait3A_293 : memref<80x128xf32, #tpu.memory_space<vmem_shared>>)
      tpu.yield
    }) : () -> ()
    "tpu.region"() ({
      %run_scoped3A_273 = tpu.sem_alloc : memref<!tpu.dma_semaphore, #tpu.memory_space<semaphore_mem>>
      %dma_start3A_274 = arith.constant 0 : i32
      %dma_start3A_275 = tpu.memref_slice %arg7[%add3A_46, %dma_start3A_274] : memref<10000x16xf32, #tpu.memory_space<vmem_shared>> -> memref<80x16xf32, #tpu.memory_space<vmem_shared>>
      %dma_start3A_276 = arith.constant 0 : i32
      %dma_start3A_277 = tpu.memref_slice %arg7[%add3A_46, %dma_start3A_276] : memref<10000x16xf32, #tpu.memory_space<vmem_shared>> -> memref<80x16xf32, #tpu.memory_space<vmem_shared>>
      tpu.enqueue_dma source(%arg11 : memref<80x16xf32, #tpu.memory_space<vmem>>) target(%dma_start3A_277 : memref<80x16xf32, #tpu.memory_space<vmem_shared>>) target_semaphore(%run_scoped3A_273 : memref<!tpu.dma_semaphore, #tpu.memory_space<semaphore_mem>>)
      %dma_wait3A_278 = arith.constant 0 : i32
      %dma_wait3A_279 = tpu.memref_slice %arg7[%add3A_46, %dma_wait3A_278] : memref<10000x16xf32, #tpu.memory_space<vmem_shared>> -> memref<80x16xf32, #tpu.memory_space<vmem_shared>>
      %dma_wait3A_280 = arith.constant 0 : i32
      %dma_wait3A_281 = tpu.memref_slice %arg7[%add3A_46, %dma_wait3A_280] : memref<10000x16xf32, #tpu.memory_space<vmem_shared>> -> memref<80x16xf32, #tpu.memory_space<vmem_shared>>
      tpu.wait_dma2 semaphore(%run_scoped3A_273 : memref<!tpu.dma_semaphore, #tpu.memory_space<semaphore_mem>>) src(%arg11 : memref<80x16xf32, #tpu.memory_space<vmem>>) dst(%dma_wait3A_281 : memref<80x16xf32, #tpu.memory_space<vmem_shared>>)
      tpu.yield
    }) : () -> ()
    %mul3A_48 = arith.constant 625 : i32
    %mul3A_49 = arith.muli %arg1, %mul3A_48 : i32
    %add3A_50 = arith.constant 240 : i32
    %add3A_51 = arith.addi %mul3A_49, %add3A_50 : i32
    %run_scoped3A_52 = arith.constant 2 : i32
    "tpu.region"() ({
      %run_scoped3A_273 = tpu.sem_alloc : memref<!tpu.dma_semaphore, #tpu.memory_space<semaphore_mem>>
      %dma_start3A_274 = arith.constant 0 : i32
      %dma_start3A_275 = arith.constant 0 : i32
      %dma_start3A_276 = tpu.memref_slice %arg8[%run_scoped3A_52, %dma_start3A_274, %dma_start3A_275] : memref<3x80x128xf32, #tpu.memory_space<vmem>> -> memref<1x80x128xf32, #tpu.memory_space<vmem>>
      %dma_start3A_277 = tpu.memref_squeeze %dma_start3A_276 : memref<1x80x128xf32, #tpu.memory_space<vmem>> -> memref<80x128xf32, #tpu.memory_space<vmem>>
      %dma_start3A_278 = arith.constant 0 : i32
      %dma_start3A_279 = tpu.memref_slice %arg6[%add3A_51, %dma_start3A_278] : memref<10000x128xf32, #tpu.memory_space<vmem_shared>> -> memref<80x128xf32, #tpu.memory_space<vmem_shared>>
      %dma_start3A_280 = arith.constant 0 : i32
      %dma_start3A_281 = tpu.memref_slice %arg6[%add3A_51, %dma_start3A_280] : memref<10000x128xf32, #tpu.memory_space<vmem_shared>> -> memref<80x128xf32, #tpu.memory_space<vmem_shared>>
      %dma_start3A_282 = arith.constant 0 : i32
      %dma_start3A_283 = arith.constant 0 : i32
      %dma_start3A_284 = tpu.memref_slice %arg8[%run_scoped3A_52, %dma_start3A_282, %dma_start3A_283] : memref<3x80x128xf32, #tpu.memory_space<vmem>> -> memref<1x80x128xf32, #tpu.memory_space<vmem>>
      %dma_start3A_285 = tpu.memref_squeeze %dma_start3A_284 : memref<1x80x128xf32, #tpu.memory_space<vmem>> -> memref<80x128xf32, #tpu.memory_space<vmem>>
      tpu.enqueue_dma source(%dma_start3A_285 : memref<80x128xf32, #tpu.memory_space<vmem>>) target(%dma_start3A_281 : memref<80x128xf32, #tpu.memory_space<vmem_shared>>) target_semaphore(%run_scoped3A_273 : memref<!tpu.dma_semaphore, #tpu.memory_space<semaphore_mem>>)
      %dma_wait3A_286 = arith.constant 0 : i32
      %dma_wait3A_287 = arith.constant 0 : i32
      %dma_wait3A_288 = tpu.memref_slice %arg8[%run_scoped3A_52, %dma_wait3A_286, %dma_wait3A_287] : memref<3x80x128xf32, #tpu.memory_space<vmem>> -> memref<1x80x128xf32, #tpu.memory_space<vmem>>
      %dma_wait3A_289 = tpu.memref_squeeze %dma_wait3A_288 : memref<1x80x128xf32, #tpu.memory_space<vmem>> -> memref<80x128xf32, #tpu.memory_space<vmem>>
      %dma_wait3A_290 = arith.constant 0 : i32
      %dma_wait3A_291 = tpu.memref_slice %arg6[%add3A_51, %dma_wait3A_290] : memref<10000x128xf32, #tpu.memory_space<vmem_shared>> -> memref<80x128xf32, #tpu.memory_space<vmem_shared>>
      %dma_wait3A_292 = arith.constant 0 : i32
      %dma_wait3A_293 = tpu.memref_slice %arg6[%add3A_51, %dma_wait3A_292] : memref<10000x128xf32, #tpu.memory_space<vmem_shared>> -> memref<80x128xf32, #tpu.memory_space<vmem_shared>>
      %dma_wait3A_294 = arith.constant 0 : i32
      %dma_wait3A_295 = arith.constant 0 : i32
      %dma_wait3A_296 = tpu.memref_slice %arg8[%run_scoped3A_52, %dma_wait3A_294, %dma_wait3A_295] : memref<3x80x128xf32, #tpu.memory_space<vmem>> -> memref<1x80x128xf32, #tpu.memory_space<vmem>>
      %dma_wait3A_297 = tpu.memref_squeeze %dma_wait3A_296 : memref<1x80x128xf32, #tpu.memory_space<vmem>> -> memref<80x128xf32, #tpu.memory_space<vmem>>
      tpu.wait_dma2 semaphore(%run_scoped3A_273 : memref<!tpu.dma_semaphore, #tpu.memory_space<semaphore_mem>>) src(%dma_wait3A_297 : memref<80x128xf32, #tpu.memory_space<vmem>>) dst(%dma_wait3A_293 : memref<80x128xf32, #tpu.memory_space<vmem_shared>>)
      tpu.yield
    }) : () -> ()
    "tpu.region"() ({
      %run_scoped3A_273 = tpu.sem_alloc : memref<!tpu.dma_semaphore, #tpu.memory_space<semaphore_mem>>
      %dma_start3A_274 = arith.constant 0 : i32
      %dma_start3A_275 = tpu.memref_slice %arg7[%add3A_51, %dma_start3A_274] : memref<10000x16xf32, #tpu.memory_space<vmem_shared>> -> memref<80x16xf32, #tpu.memory_space<vmem_shared>>
      %dma_start3A_276 = arith.constant 0 : i32
      %dma_start3A_277 = tpu.memref_slice %arg7[%add3A_51, %dma_start3A_276] : memref<10000x16xf32, #tpu.memory_space<vmem_shared>> -> memref<80x16xf32, #tpu.memory_space<vmem_shared>>
      tpu.enqueue_dma source(%arg11 : memref<80x16xf32, #tpu.memory_space<vmem>>) target(%dma_start3A_277 : memref<80x16xf32, #tpu.memory_space<vmem_shared>>) target_semaphore(%run_scoped3A_273 : memref<!tpu.dma_semaphore, #tpu.memory_space<semaphore_mem>>)
      %dma_wait3A_278 = arith.constant 0 : i32
      %dma_wait3A_279 = tpu.memref_slice %arg7[%add3A_51, %dma_wait3A_278] : memref<10000x16xf32, #tpu.memory_space<vmem_shared>> -> memref<80x16xf32, #tpu.memory_space<vmem_shared>>
      %dma_wait3A_280 = arith.constant 0 : i32
      %dma_wait3A_281 = tpu.memref_slice %arg7[%add3A_51, %dma_wait3A_280] : memref<10000x16xf32, #tpu.memory_space<vmem_shared>> -> memref<80x16xf32, #tpu.memory_space<vmem_shared>>
      tpu.wait_dma2 semaphore(%run_scoped3A_273 : memref<!tpu.dma_semaphore, #tpu.memory_space<semaphore_mem>>) src(%arg11 : memref<80x16xf32, #tpu.memory_space<vmem>>) dst(%dma_wait3A_281 : memref<80x16xf32, #tpu.memory_space<vmem_shared>>)
      tpu.yield
    }) : () -> ()
    %mul3A_53 = arith.constant 625 : i32
    %mul3A_54 = arith.muli %arg1, %mul3A_53 : i32
    %add3A_55 = arith.constant 320 : i32
    %add3A_56 = arith.addi %mul3A_54, %add3A_55 : i32
    %run_scoped3A_57 = arith.constant 2 : i32
    "tpu.region"() ({
      %run_scoped3A_273 = tpu.sem_alloc : memref<!tpu.dma_semaphore, #tpu.memory_space<semaphore_mem>>
      %dma_start3A_274 = arith.constant 0 : i32
      %dma_start3A_275 = arith.constant 0 : i32
      %dma_start3A_276 = tpu.memref_slice %arg8[%run_scoped3A_57, %dma_start3A_274, %dma_start3A_275] : memref<3x80x128xf32, #tpu.memory_space<vmem>> -> memref<1x80x128xf32, #tpu.memory_space<vmem>>
      %dma_start3A_277 = tpu.memref_squeeze %dma_start3A_276 : memref<1x80x128xf32, #tpu.memory_space<vmem>> -> memref<80x128xf32, #tpu.memory_space<vmem>>
      %dma_start3A_278 = arith.constant 0 : i32
      %dma_start3A_279 = tpu.memref_slice %arg6[%add3A_56, %dma_start3A_278] : memref<10000x128xf32, #tpu.memory_space<vmem_shared>> -> memref<80x128xf32, #tpu.memory_space<vmem_shared>>
      %dma_start3A_280 = arith.constant 0 : i32
      %dma_start3A_281 = tpu.memref_slice %arg6[%add3A_56, %dma_start3A_280] : memref<10000x128xf32, #tpu.memory_space<vmem_shared>> -> memref<80x128xf32, #tpu.memory_space<vmem_shared>>
      %dma_start3A_282 = arith.constant 0 : i32
      %dma_start3A_283 = arith.constant 0 : i32
      %dma_start3A_284 = tpu.memref_slice %arg8[%run_scoped3A_57, %dma_start3A_282, %dma_start3A_283] : memref<3x80x128xf32, #tpu.memory_space<vmem>> -> memref<1x80x128xf32, #tpu.memory_space<vmem>>
      %dma_start3A_285 = tpu.memref_squeeze %dma_start3A_284 : memref<1x80x128xf32, #tpu.memory_space<vmem>> -> memref<80x128xf32, #tpu.memory_space<vmem>>
      tpu.enqueue_dma source(%dma_start3A_285 : memref<80x128xf32, #tpu.memory_space<vmem>>) target(%dma_start3A_281 : memref<80x128xf32, #tpu.memory_space<vmem_shared>>) target_semaphore(%run_scoped3A_273 : memref<!tpu.dma_semaphore, #tpu.memory_space<semaphore_mem>>)
      %dma_wait3A_286 = arith.constant 0 : i32
      %dma_wait3A_287 = arith.constant 0 : i32
      %dma_wait3A_288 = tpu.memref_slice %arg8[%run_scoped3A_57, %dma_wait3A_286, %dma_wait3A_287] : memref<3x80x128xf32, #tpu.memory_space<vmem>> -> memref<1x80x128xf32, #tpu.memory_space<vmem>>
      %dma_wait3A_289 = tpu.memref_squeeze %dma_wait3A_288 : memref<1x80x128xf32, #tpu.memory_space<vmem>> -> memref<80x128xf32, #tpu.memory_space<vmem>>
      %dma_wait3A_290 = arith.constant 0 : i32
      %dma_wait3A_291 = tpu.memref_slice %arg6[%add3A_56, %dma_wait3A_290] : memref<10000x128xf32, #tpu.memory_space<vmem_shared>> -> memref<80x128xf32, #tpu.memory_space<vmem_shared>>
      %dma_wait3A_292 = arith.constant 0 : i32
      %dma_wait3A_293 = tpu.memref_slice %arg6[%add3A_56, %dma_wait3A_292] : memref<10000x128xf32, #tpu.memory_space<vmem_shared>> -> memref<80x128xf32, #tpu.memory_space<vmem_shared>>
      %dma_wait3A_294 = arith.constant 0 : i32
      %dma_wait3A_295 = arith.constant 0 : i32
      %dma_wait3A_296 = tpu.memref_slice %arg8[%run_scoped3A_57, %dma_wait3A_294, %dma_wait3A_295] : memref<3x80x128xf32, #tpu.memory_space<vmem>> -> memref<1x80x128xf32, #tpu.memory_space<vmem>>
      %dma_wait3A_297 = tpu.memref_squeeze %dma_wait3A_296 : memref<1x80x128xf32, #tpu.memory_space<vmem>> -> memref<80x128xf32, #tpu.memory_space<vmem>>
      tpu.wait_dma2 semaphore(%run_scoped3A_273 : memref<!tpu.dma_semaphore, #tpu.memory_space<semaphore_mem>>) src(%dma_wait3A_297 : memref<80x128xf32, #tpu.memory_space<vmem>>) dst(%dma_wait3A_293 : memref<80x128xf32, #tpu.memory_space<vmem_shared>>)
      tpu.yield
    }) : () -> ()
    "tpu.region"() ({
      %run_scoped3A_273 = tpu.sem_alloc : memref<!tpu.dma_semaphore, #tpu.memory_space<semaphore_mem>>
      %dma_start3A_274 = arith.constant 0 : i32
      %dma_start3A_275 = tpu.memref_slice %arg7[%add3A_56, %dma_start3A_274] : memref<10000x16xf32, #tpu.memory_space<vmem_shared>> -> memref<80x16xf32, #tpu.memory_space<vmem_shared>>
      %dma_start3A_276 = arith.constant 0 : i32
      %dma_start3A_277 = tpu.memref_slice %arg7[%add3A_56, %dma_start3A_276] : memref<10000x16xf32, #tpu.memory_space<vmem_shared>> -> memref<80x16xf32, #tpu.memory_space<vmem_shared>>
      tpu.enqueue_dma source(%arg11 : memref<80x16xf32, #tpu.memory_space<vmem>>) target(%dma_start3A_277 : memref<80x16xf32, #tpu.memory_space<vmem_shared>>) target_semaphore(%run_scoped3A_273 : memref<!tpu.dma_semaphore, #tpu.memory_space<semaphore_mem>>)
      %dma_wait3A_278 = arith.constant 0 : i32
      %dma_wait3A_279 = tpu.memref_slice %arg7[%add3A_56, %dma_wait3A_278] : memref<10000x16xf32, #tpu.memory_space<vmem_shared>> -> memref<80x16xf32, #tpu.memory_space<vmem_shared>>
      %dma_wait3A_280 = arith.constant 0 : i32
      %dma_wait3A_281 = tpu.memref_slice %arg7[%add3A_56, %dma_wait3A_280] : memref<10000x16xf32, #tpu.memory_space<vmem_shared>> -> memref<80x16xf32, #tpu.memory_space<vmem_shared>>
      tpu.wait_dma2 semaphore(%run_scoped3A_273 : memref<!tpu.dma_semaphore, #tpu.memory_space<semaphore_mem>>) src(%arg11 : memref<80x16xf32, #tpu.memory_space<vmem>>) dst(%dma_wait3A_281 : memref<80x16xf32, #tpu.memory_space<vmem_shared>>)
      tpu.yield
    }) : () -> ()
    %mul3A_58 = arith.constant 625 : i32
    %mul3A_59 = arith.muli %arg1, %mul3A_58 : i32
    %add3A_60 = arith.constant 400 : i32
    %add3A_61 = arith.addi %mul3A_59, %add3A_60 : i32
    %run_scoped3A_62 = arith.constant 2 : i32
    "tpu.region"() ({
      %run_scoped3A_273 = tpu.sem_alloc : memref<!tpu.dma_semaphore, #tpu.memory_space<semaphore_mem>>
      %dma_start3A_274 = arith.constant 0 : i32
      %dma_start3A_275 = arith.constant 0 : i32
      %dma_start3A_276 = tpu.memref_slice %arg8[%run_scoped3A_62, %dma_start3A_274, %dma_start3A_275] : memref<3x80x128xf32, #tpu.memory_space<vmem>> -> memref<1x80x128xf32, #tpu.memory_space<vmem>>
      %dma_start3A_277 = tpu.memref_squeeze %dma_start3A_276 : memref<1x80x128xf32, #tpu.memory_space<vmem>> -> memref<80x128xf32, #tpu.memory_space<vmem>>
      %dma_start3A_278 = arith.constant 0 : i32
      %dma_start3A_279 = tpu.memref_slice %arg6[%add3A_61, %dma_start3A_278] : memref<10000x128xf32, #tpu.memory_space<vmem_shared>> -> memref<80x128xf32, #tpu.memory_space<vmem_shared>>
      %dma_start3A_280 = arith.constant 0 : i32
      %dma_start3A_281 = tpu.memref_slice %arg6[%add3A_61, %dma_start3A_280] : memref<10000x128xf32, #tpu.memory_space<vmem_shared>> -> memref<80x128xf32, #tpu.memory_space<vmem_shared>>
      %dma_start3A_282 = arith.constant 0 : i32
      %dma_start3A_283 = arith.constant 0 : i32
      %dma_start3A_284 = tpu.memref_slice %arg8[%run_scoped3A_62, %dma_start3A_282, %dma_start3A_283] : memref<3x80x128xf32, #tpu.memory_space<vmem>> -> memref<1x80x128xf32, #tpu.memory_space<vmem>>
      %dma_start3A_285 = tpu.memref_squeeze %dma_start3A_284 : memref<1x80x128xf32, #tpu.memory_space<vmem>> -> memref<80x128xf32, #tpu.memory_space<vmem>>
      tpu.enqueue_dma source(%dma_start3A_285 : memref<80x128xf32, #tpu.memory_space<vmem>>) target(%dma_start3A_281 : memref<80x128xf32, #tpu.memory_space<vmem_shared>>) target_semaphore(%run_scoped3A_273 : memref<!tpu.dma_semaphore, #tpu.memory_space<semaphore_mem>>)
      %dma_wait3A_286 = arith.constant 0 : i32
      %dma_wait3A_287 = arith.constant 0 : i32
      %dma_wait3A_288 = tpu.memref_slice %arg8[%run_scoped3A_62, %dma_wait3A_286, %dma_wait3A_287] : memref<3x80x128xf32, #tpu.memory_space<vmem>> -> memref<1x80x128xf32, #tpu.memory_space<vmem>>
      %dma_wait3A_289 = tpu.memref_squeeze %dma_wait3A_288 : memref<1x80x128xf32, #tpu.memory_space<vmem>> -> memref<80x128xf32, #tpu.memory_space<vmem>>
      %dma_wait3A_290 = arith.constant 0 : i32
      %dma_wait3A_291 = tpu.memref_slice %arg6[%add3A_61, %dma_wait3A_290] : memref<10000x128xf32, #tpu.memory_space<vmem_shared>> -> memref<80x128xf32, #tpu.memory_space<vmem_shared>>
      %dma_wait3A_292 = arith.constant 0 : i32
      %dma_wait3A_293 = tpu.memref_slice %arg6[%add3A_61, %dma_wait3A_292] : memref<10000x128xf32, #tpu.memory_space<vmem_shared>> -> memref<80x128xf32, #tpu.memory_space<vmem_shared>>
      %dma_wait3A_294 = arith.constant 0 : i32
      %dma_wait3A_295 = arith.constant 0 : i32
      %dma_wait3A_296 = tpu.memref_slice %arg8[%run_scoped3A_62, %dma_wait3A_294, %dma_wait3A_295] : memref<3x80x128xf32, #tpu.memory_space<vmem>> -> memref<1x80x128xf32, #tpu.memory_space<vmem>>
      %dma_wait3A_297 = tpu.memref_squeeze %dma_wait3A_296 : memref<1x80x128xf32, #tpu.memory_space<vmem>> -> memref<80x128xf32, #tpu.memory_space<vmem>>
      tpu.wait_dma2 semaphore(%run_scoped3A_273 : memref<!tpu.dma_semaphore, #tpu.memory_space<semaphore_mem>>) src(%dma_wait3A_297 : memref<80x128xf32, #tpu.memory_space<vmem>>) dst(%dma_wait3A_293 : memref<80x128xf32, #tpu.memory_space<vmem_shared>>)
      tpu.yield
    }) : () -> ()
    "tpu.region"() ({
      %run_scoped3A_273 = tpu.sem_alloc : memref<!tpu.dma_semaphore, #tpu.memory_space<semaphore_mem>>
      %dma_start3A_274 = arith.constant 0 : i32
      %dma_start3A_275 = tpu.memref_slice %arg7[%add3A_61, %dma_start3A_274] : memref<10000x16xf32, #tpu.memory_space<vmem_shared>> -> memref<80x16xf32, #tpu.memory_space<vmem_shared>>
      %dma_start3A_276 = arith.constant 0 : i32
      %dma_start3A_277 = tpu.memref_slice %arg7[%add3A_61, %dma_start3A_276] : memref<10000x16xf32, #tpu.memory_space<vmem_shared>> -> memref<80x16xf32, #tpu.memory_space<vmem_shared>>
      tpu.enqueue_dma source(%arg11 : memref<80x16xf32, #tpu.memory_space<vmem>>) target(%dma_start3A_277 : memref<80x16xf32, #tpu.memory_space<vmem_shared>>) target_semaphore(%run_scoped3A_273 : memref<!tpu.dma_semaphore, #tpu.memory_space<semaphore_mem>>)
      %dma_wait3A_278 = arith.constant 0 : i32
      %dma_wait3A_279 = tpu.memref_slice %arg7[%add3A_61, %dma_wait3A_278] : memref<10000x16xf32, #tpu.memory_space<vmem_shared>> -> memref<80x16xf32, #tpu.memory_space<vmem_shared>>
      %dma_wait3A_280 = arith.constant 0 : i32
      %dma_wait3A_281 = tpu.memref_slice %arg7[%add3A_61, %dma_wait3A_280] : memref<10000x16xf32, #tpu.memory_space<vmem_shared>> -> memref<80x16xf32, #tpu.memory_space<vmem_shared>>
      tpu.wait_dma2 semaphore(%run_scoped3A_273 : memref<!tpu.dma_semaphore, #tpu.memory_space<semaphore_mem>>) src(%arg11 : memref<80x16xf32, #tpu.memory_space<vmem>>) dst(%dma_wait3A_281 : memref<80x16xf32, #tpu.memory_space<vmem_shared>>)
      tpu.yield
    }) : () -> ()
    %mul3A_63 = arith.constant 625 : i32
    %mul3A_64 = arith.muli %arg1, %mul3A_63 : i32
    %add3A_65 = arith.constant 480 : i32
    %add3A_66 = arith.addi %mul3A_64, %add3A_65 : i32
    %run_scoped3A_67 = arith.constant 2 : i32
    "tpu.region"() ({
      %run_scoped3A_273 = tpu.sem_alloc : memref<!tpu.dma_semaphore, #tpu.memory_space<semaphore_mem>>
      %dma_start3A_274 = arith.constant 0 : i32
      %dma_start3A_275 = arith.constant 0 : i32
      %dma_start3A_276 = tpu.memref_slice %arg8[%run_scoped3A_67, %dma_start3A_274, %dma_start3A_275] : memref<3x80x128xf32, #tpu.memory_space<vmem>> -> memref<1x80x128xf32, #tpu.memory_space<vmem>>
      %dma_start3A_277 = tpu.memref_squeeze %dma_start3A_276 : memref<1x80x128xf32, #tpu.memory_space<vmem>> -> memref<80x128xf32, #tpu.memory_space<vmem>>
      %dma_start3A_278 = arith.constant 0 : i32
      %dma_start3A_279 = tpu.memref_slice %arg6[%add3A_66, %dma_start3A_278] : memref<10000x128xf32, #tpu.memory_space<vmem_shared>> -> memref<80x128xf32, #tpu.memory_space<vmem_shared>>
      %dma_start3A_280 = arith.constant 0 : i32
      %dma_start3A_281 = tpu.memref_slice %arg6[%add3A_66, %dma_start3A_280] : memref<10000x128xf32, #tpu.memory_space<vmem_shared>> -> memref<80x128xf32, #tpu.memory_space<vmem_shared>>
      %dma_start3A_282 = arith.constant 0 : i32
      %dma_start3A_283 = arith.constant 0 : i32
      %dma_start3A_284 = tpu.memref_slice %arg8[%run_scoped3A_67, %dma_start3A_282, %dma_start3A_283] : memref<3x80x128xf32, #tpu.memory_space<vmem>> -> memref<1x80x128xf32, #tpu.memory_space<vmem>>
      %dma_start3A_285 = tpu.memref_squeeze %dma_start3A_284 : memref<1x80x128xf32, #tpu.memory_space<vmem>> -> memref<80x128xf32, #tpu.memory_space<vmem>>
      tpu.enqueue_dma source(%dma_start3A_285 : memref<80x128xf32, #tpu.memory_space<vmem>>) target(%dma_start3A_281 : memref<80x128xf32, #tpu.memory_space<vmem_shared>>) target_semaphore(%run_scoped3A_273 : memref<!tpu.dma_semaphore, #tpu.memory_space<semaphore_mem>>)
      %dma_wait3A_286 = arith.constant 0 : i32
      %dma_wait3A_287 = arith.constant 0 : i32
      %dma_wait3A_288 = tpu.memref_slice %arg8[%run_scoped3A_67, %dma_wait3A_286, %dma_wait3A_287] : memref<3x80x128xf32, #tpu.memory_space<vmem>> -> memref<1x80x128xf32, #tpu.memory_space<vmem>>
      %dma_wait3A_289 = tpu.memref_squeeze %dma_wait3A_288 : memref<1x80x128xf32, #tpu.memory_space<vmem>> -> memref<80x128xf32, #tpu.memory_space<vmem>>
      %dma_wait3A_290 = arith.constant 0 : i32
      %dma_wait3A_291 = tpu.memref_slice %arg6[%add3A_66, %dma_wait3A_290] : memref<10000x128xf32, #tpu.memory_space<vmem_shared>> -> memref<80x128xf32, #tpu.memory_space<vmem_shared>>
      %dma_wait3A_292 = arith.constant 0 : i32
      %dma_wait3A_293 = tpu.memref_slice %arg6[%add3A_66, %dma_wait3A_292] : memref<10000x128xf32, #tpu.memory_space<vmem_shared>> -> memref<80x128xf32, #tpu.memory_space<vmem_shared>>
      %dma_wait3A_294 = arith.constant 0 : i32
      %dma_wait3A_295 = arith.constant 0 : i32
      %dma_wait3A_296 = tpu.memref_slice %arg8[%run_scoped3A_67, %dma_wait3A_294, %dma_wait3A_295] : memref<3x80x128xf32, #tpu.memory_space<vmem>> -> memref<1x80x128xf32, #tpu.memory_space<vmem>>
      %dma_wait3A_297 = tpu.memref_squeeze %dma_wait3A_296 : memref<1x80x128xf32, #tpu.memory_space<vmem>> -> memref<80x128xf32, #tpu.memory_space<vmem>>
      tpu.wait_dma2 semaphore(%run_scoped3A_273 : memref<!tpu.dma_semaphore, #tpu.memory_space<semaphore_mem>>) src(%dma_wait3A_297 : memref<80x128xf32, #tpu.memory_space<vmem>>) dst(%dma_wait3A_293 : memref<80x128xf32, #tpu.memory_space<vmem_shared>>)
      tpu.yield
    }) : () -> ()
    "tpu.region"() ({
      %run_scoped3A_273 = tpu.sem_alloc : memref<!tpu.dma_semaphore, #tpu.memory_space<semaphore_mem>>
      %dma_start3A_274 = arith.constant 0 : i32
      %dma_start3A_275 = tpu.memref_slice %arg7[%add3A_66, %dma_start3A_274] : memref<10000x16xf32, #tpu.memory_space<vmem_shared>> -> memref<80x16xf32, #tpu.memory_space<vmem_shared>>
      %dma_start3A_276 = arith.constant 0 : i32
      %dma_start3A_277 = tpu.memref_slice %arg7[%add3A_66, %dma_start3A_276] : memref<10000x16xf32, #tpu.memory_space<vmem_shared>> -> memref<80x16xf32, #tpu.memory_space<vmem_shared>>
      tpu.enqueue_dma source(%arg11 : memref<80x16xf32, #tpu.memory_space<vmem>>) target(%dma_start3A_277 : memref<80x16xf32, #tpu.memory_space<vmem_shared>>) target_semaphore(%run_scoped3A_273 : memref<!tpu.dma_semaphore, #tpu.memory_space<semaphore_mem>>)
      %dma_wait3A_278 = arith.constant 0 : i32
      %dma_wait3A_279 = tpu.memref_slice %arg7[%add3A_66, %dma_wait3A_278] : memref<10000x16xf32, #tpu.memory_space<vmem_shared>> -> memref<80x16xf32, #tpu.memory_space<vmem_shared>>
      %dma_wait3A_280 = arith.constant 0 : i32
      %dma_wait3A_281 = tpu.memref_slice %arg7[%add3A_66, %dma_wait3A_280] : memref<10000x16xf32, #tpu.memory_space<vmem_shared>> -> memref<80x16xf32, #tpu.memory_space<vmem_shared>>
      tpu.wait_dma2 semaphore(%run_scoped3A_273 : memref<!tpu.dma_semaphore, #tpu.memory_space<semaphore_mem>>) src(%arg11 : memref<80x16xf32, #tpu.memory_space<vmem>>) dst(%dma_wait3A_281 : memref<80x16xf32, #tpu.memory_space<vmem_shared>>)
      tpu.yield
    }) : () -> ()
    %mul3A_68 = arith.constant 625 : i32
    %mul3A_69 = arith.muli %arg1, %mul3A_68 : i32
    %add3A_70 = arith.constant 560 : i32
    %add3A_71 = arith.addi %mul3A_69, %add3A_70 : i32
    %run_scoped3A_72 = arith.constant 2 : i32
    "tpu.region"() ({
      %run_scoped3A_273 = tpu.sem_alloc : memref<!tpu.dma_semaphore, #tpu.memory_space<semaphore_mem>>
      %dma_start3A_274 = arith.constant 0 : i32
      %dma_start3A_275 = arith.constant 0 : i32
      %dma_start3A_276 = tpu.memref_slice %arg8[%run_scoped3A_72, %dma_start3A_274, %dma_start3A_275] : memref<3x80x128xf32, #tpu.memory_space<vmem>> -> memref<1x65x128xf32, #tpu.memory_space<vmem>>
      %dma_start3A_277 = tpu.memref_squeeze %dma_start3A_276 : memref<1x65x128xf32, #tpu.memory_space<vmem>> -> memref<65x128xf32, #tpu.memory_space<vmem>>
      %dma_start3A_278 = arith.constant 0 : i32
      %dma_start3A_279 = tpu.memref_slice %arg6[%add3A_71, %dma_start3A_278] : memref<10000x128xf32, #tpu.memory_space<vmem_shared>> -> memref<65x128xf32, #tpu.memory_space<vmem_shared>>
      %dma_start3A_280 = arith.constant 0 : i32
      %dma_start3A_281 = tpu.memref_slice %arg6[%add3A_71, %dma_start3A_280] : memref<10000x128xf32, #tpu.memory_space<vmem_shared>> -> memref<65x128xf32, #tpu.memory_space<vmem_shared>>
      %dma_start3A_282 = arith.constant 0 : i32
      %dma_start3A_283 = arith.constant 0 : i32
      %dma_start3A_284 = tpu.memref_slice %arg8[%run_scoped3A_72, %dma_start3A_282, %dma_start3A_283] : memref<3x80x128xf32, #tpu.memory_space<vmem>> -> memref<1x65x128xf32, #tpu.memory_space<vmem>>
      %dma_start3A_285 = tpu.memref_squeeze %dma_start3A_284 : memref<1x65x128xf32, #tpu.memory_space<vmem>> -> memref<65x128xf32, #tpu.memory_space<vmem>>
      tpu.enqueue_dma source(%dma_start3A_285 : memref<65x128xf32, #tpu.memory_space<vmem>>) target(%dma_start3A_281 : memref<65x128xf32, #tpu.memory_space<vmem_shared>>) target_semaphore(%run_scoped3A_273 : memref<!tpu.dma_semaphore, #tpu.memory_space<semaphore_mem>>)
      %dma_wait3A_286 = arith.constant 0 : i32
      %dma_wait3A_287 = arith.constant 0 : i32
      %dma_wait3A_288 = tpu.memref_slice %arg8[%run_scoped3A_72, %dma_wait3A_286, %dma_wait3A_287] : memref<3x80x128xf32, #tpu.memory_space<vmem>> -> memref<1x65x128xf32, #tpu.memory_space<vmem>>
      %dma_wait3A_289 = tpu.memref_squeeze %dma_wait3A_288 : memref<1x65x128xf32, #tpu.memory_space<vmem>> -> memref<65x128xf32, #tpu.memory_space<vmem>>
      %dma_wait3A_290 = arith.constant 0 : i32
      %dma_wait3A_291 = tpu.memref_slice %arg6[%add3A_71, %dma_wait3A_290] : memref<10000x128xf32, #tpu.memory_space<vmem_shared>> -> memref<65x128xf32, #tpu.memory_space<vmem_shared>>
      %dma_wait3A_292 = arith.constant 0 : i32
      %dma_wait3A_293 = tpu.memref_slice %arg6[%add3A_71, %dma_wait3A_292] : memref<10000x128xf32, #tpu.memory_space<vmem_shared>> -> memref<65x128xf32, #tpu.memory_space<vmem_shared>>
      %dma_wait3A_294 = arith.constant 0 : i32
      %dma_wait3A_295 = arith.constant 0 : i32
      %dma_wait3A_296 = tpu.memref_slice %arg8[%run_scoped3A_72, %dma_wait3A_294, %dma_wait3A_295] : memref<3x80x128xf32, #tpu.memory_space<vmem>> -> memref<1x65x128xf32, #tpu.memory_space<vmem>>
      %dma_wait3A_297 = tpu.memref_squeeze %dma_wait3A_296 : memref<1x65x128xf32, #tpu.memory_space<vmem>> -> memref<65x128xf32, #tpu.memory_space<vmem>>
      tpu.wait_dma2 semaphore(%run_scoped3A_273 : memref<!tpu.dma_semaphore, #tpu.memory_space<semaphore_mem>>) src(%dma_wait3A_297 : memref<65x128xf32, #tpu.memory_space<vmem>>) dst(%dma_wait3A_293 : memref<65x128xf32, #tpu.memory_space<vmem_shared>>)
      tpu.yield
    }) : () -> ()
    "tpu.region"() ({
      %run_scoped3A_273 = tpu.sem_alloc : memref<!tpu.dma_semaphore, #tpu.memory_space<semaphore_mem>>
      %dma_start3A_274 = arith.constant 0 : i32
      %dma_start3A_275 = arith.constant 0 : i32
      %dma_start3A_276 = tpu.memref_slice %arg11[%dma_start3A_274, %dma_start3A_275] : memref<80x16xf32, #tpu.memory_space<vmem>> -> memref<65x16xf32, #tpu.memory_space<vmem>>
      %dma_start3A_277 = arith.constant 0 : i32
      %dma_start3A_278 = tpu.memref_slice %arg7[%add3A_71, %dma_start3A_277] : memref<10000x16xf32, #tpu.memory_space<vmem_shared>> -> memref<65x16xf32, #tpu.memory_space<vmem_shared>>
      %dma_start3A_279 = arith.constant 0 : i32
      %dma_start3A_280 = tpu.memref_slice %arg7[%add3A_71, %dma_start3A_279] : memref<10000x16xf32, #tpu.memory_space<vmem_shared>> -> memref<65x16xf32, #tpu.memory_space<vmem_shared>>
      %dma_start3A_281 = arith.constant 0 : i32
      %dma_start3A_282 = arith.constant 0 : i32
      %dma_start3A_283 = tpu.memref_slice %arg11[%dma_start3A_281, %dma_start3A_282] : memref<80x16xf32, #tpu.memory_space<vmem>> -> memref<65x16xf32, #tpu.memory_space<vmem>>
      tpu.enqueue_dma source(%dma_start3A_283 : memref<65x16xf32, #tpu.memory_space<vmem>>) target(%dma_start3A_280 : memref<65x16xf32, #tpu.memory_space<vmem_shared>>) target_semaphore(%run_scoped3A_273 : memref<!tpu.dma_semaphore, #tpu.memory_space<semaphore_mem>>)
      %dma_wait3A_284 = arith.constant 0 : i32
      %dma_wait3A_285 = arith.constant 0 : i32
      %dma_wait3A_286 = tpu.memref_slice %arg11[%dma_wait3A_284, %dma_wait3A_285] : memref<80x16xf32, #tpu.memory_space<vmem>> -> memref<65x16xf32, #tpu.memory_space<vmem>>
      %dma_wait3A_287 = arith.constant 0 : i32
      %dma_wait3A_288 = tpu.memref_slice %arg7[%add3A_71, %dma_wait3A_287] : memref<10000x16xf32, #tpu.memory_space<vmem_shared>> -> memref<65x16xf32, #tpu.memory_space<vmem_shared>>
      %dma_wait3A_289 = arith.constant 0 : i32
      %dma_wait3A_290 = tpu.memref_slice %arg7[%add3A_71, %dma_wait3A_289] : memref<10000x16xf32, #tpu.memory_space<vmem_shared>> -> memref<65x16xf32, #tpu.memory_space<vmem_shared>>
      %dma_wait3A_291 = arith.constant 0 : i32
      %dma_wait3A_292 = arith.constant 0 : i32
      %dma_wait3A_293 = tpu.memref_slice %arg11[%dma_wait3A_291, %dma_wait3A_292] : memref<80x16xf32, #tpu.memory_space<vmem>> -> memref<65x16xf32, #tpu.memory_space<vmem>>
      tpu.wait_dma2 semaphore(%run_scoped3A_273 : memref<!tpu.dma_semaphore, #tpu.memory_space<semaphore_mem>>) src(%dma_wait3A_293 : memref<65x16xf32, #tpu.memory_space<vmem>>) dst(%dma_wait3A_290 : memref<65x16xf32, #tpu.memory_space<vmem_shared>>)
      tpu.yield
    }) : () -> ()
    %barrier3A = arith.constant 0 : index
    tpu.barrier barrier_id(%barrier3A)
    %add3A_73 = arith.constant 80 : i32
    %add3A_74 = arith.addi %mul3A_2, %add3A_73 : i32
    %dma_start3A_75 = arith.constant 1 : i32
    %dma_start3A_76 = arith.constant 0 : i32
    %dma_start3A_77 = arith.constant 0 : i32
    %dma_start3A_78 = tpu.memref_slice %arg8[%dma_start3A_75, %dma_start3A_76, %dma_start3A_77] : memref<3x80x128xf32, #tpu.memory_space<vmem>> -> memref<1x80x128xf32, #tpu.memory_space<vmem>>
    %dma_start3A_79 = tpu.memref_squeeze %dma_start3A_78 : memref<1x80x128xf32, #tpu.memory_space<vmem>> -> memref<80x128xf32, #tpu.memory_space<vmem>>
    %dma_start3A_80 = arith.constant 0 : i32
    %dma_start3A_81 = tpu.memref_slice %arg2[%add3A_74, %dma_start3A_80] : memref<320000x128xf32, #tpu.memory_space<hbm>> -> memref<80x128xf32, #tpu.memory_space<hbm>>
    %dma_start3A_82 = arith.constant 0 : i32
    %dma_start3A_83 = arith.constant 0 : i32
    %dma_start3A_84 = tpu.memref_slice %arg8[%dma_start3A_75, %dma_start3A_82, %dma_start3A_83] : memref<3x80x128xf32, #tpu.memory_space<vmem>> -> memref<1x80x128xf32, #tpu.memory_space<vmem>>
    %dma_start3A_85 = tpu.memref_squeeze %dma_start3A_84 : memref<1x80x128xf32, #tpu.memory_space<vmem>> -> memref<80x128xf32, #tpu.memory_space<vmem>>
    %dma_start3A_86 = arith.constant 0 : i32
    %dma_start3A_87 = tpu.memref_slice %arg2[%add3A_74, %dma_start3A_86] : memref<320000x128xf32, #tpu.memory_space<hbm>> -> memref<80x128xf32, #tpu.memory_space<hbm>>
    tpu.enqueue_dma source(%dma_start3A_87 : memref<80x128xf32, #tpu.memory_space<hbm>>) target(%dma_start3A_85 : memref<80x128xf32, #tpu.memory_space<vmem>>) target_semaphore(%arg13 : memref<!tpu.dma_semaphore, #tpu.memory_space<semaphore_mem>>)
    %add3A_88 = arith.constant 80 : i32
    %add3A_89 = arith.addi %mul3A_2, %add3A_88 : i32
    %dma_start3A_90 = arith.constant 1 : i32
    %dma_start3A_91 = arith.constant 0 : i32
    %dma_start3A_92 = arith.constant 0 : i32
    %dma_start3A_93 = tpu.memref_slice %arg9[%dma_start3A_90, %dma_start3A_91, %dma_start3A_92] : memref<3x1x80xi32, #tpu.memory_space<vmem>> -> memref<1x1x80xi32, #tpu.memory_space<vmem>>
    %dma_start3A_94 = tpu.memref_squeeze %dma_start3A_93 : memref<1x1x80xi32, #tpu.memory_space<vmem>> -> memref<80xi32, #tpu.memory_space<vmem>>
    %dma_start3A_95 = tpu.memref_slice %arg3[%add3A_89] : memref<320000xi32, #tpu.memory_space<hbm>> -> memref<80xi32, #tpu.memory_space<hbm>>
    %dma_start3A_96 = arith.constant 0 : i32
    %dma_start3A_97 = tpu.memref_slice %arg9[%dma_start3A_90, %dma_start3A_91, %dma_start3A_96] : memref<3x1x80xi32, #tpu.memory_space<vmem>> -> memref<1x1x80xi32, #tpu.memory_space<vmem>>
    %dma_start3A_98 = tpu.memref_squeeze %dma_start3A_97 : memref<1x1x80xi32, #tpu.memory_space<vmem>> -> memref<80xi32, #tpu.memory_space<vmem>>
    %dma_start3A_99 = tpu.memref_slice %arg3[%add3A_89] : memref<320000xi32, #tpu.memory_space<hbm>> -> memref<80xi32, #tpu.memory_space<hbm>>
    tpu.enqueue_dma source(%dma_start3A_99 : memref<80xi32, #tpu.memory_space<hbm>>) target(%dma_start3A_98 : memref<80xi32, #tpu.memory_space<vmem>>) target_semaphore(%arg16 : memref<!tpu.dma_semaphore, #tpu.memory_space<semaphore_mem>>)
    %scan3A_100 = arith.constant 0 : i32
    %scan3A_101 = arith.constant 0 : i32
    %scan3A_102 = arith.constant 41 : i32
    %scan3A_103 = arith.addi %scan3A_101, %scan3A_102 : i32
    %scan3A_104 = arith.constant 1 : i32
    scf.for %scan3A_273 = %scan3A_101 to %scan3A_103 step %scan3A_104  : i32 {
      %mul3A_274 = arith.constant 3 : i32
      %mul3A_275 = arith.muli %scan3A_273, %mul3A_274 : i32
      %add3A_276 = arith.constant 0 : i32
      %add3A_277 = arith.addi %mul3A_275, %add3A_276 : i32
      %mul3A_278 = arith.constant 80 : i32
      %mul3A_279 = arith.muli %add3A_277, %mul3A_278 : i32
      %add3A_280 = arith.addi %mul3A_2, %mul3A_279 : i32
      %dma_wait3A_281 = arith.constant 0 : i32
      %dma_wait3A_282 = arith.constant 0 : i32
      %dma_wait3A_283 = arith.constant 0 : i32
      %dma_wait3A_284 = tpu.memref_slice %arg8[%dma_wait3A_281, %dma_wait3A_282, %dma_wait3A_283] : memref<3x80x128xf32, #tpu.memory_space<vmem>> -> memref<1x80x128xf32, #tpu.memory_space<vmem>>
      %dma_wait3A_285 = tpu.memref_squeeze %dma_wait3A_284 : memref<1x80x128xf32, #tpu.memory_space<vmem>> -> memref<80x128xf32, #tpu.memory_space<vmem>>
      %dma_wait3A_286 = arith.constant 0 : i32
      %dma_wait3A_287 = tpu.memref_slice %arg2[%add3A_280, %dma_wait3A_286] : memref<320000x128xf32, #tpu.memory_space<hbm>> -> memref<80x128xf32, #tpu.memory_space<hbm>>
      %dma_wait3A_288 = arith.constant 0 : i32
      %dma_wait3A_289 = arith.constant 0 : i32
      %dma_wait3A_290 = tpu.memref_slice %arg8[%dma_wait3A_281, %dma_wait3A_288, %dma_wait3A_289] : memref<3x80x128xf32, #tpu.memory_space<vmem>> -> memref<1x80x128xf32, #tpu.memory_space<vmem>>
      %dma_wait3A_291 = tpu.memref_squeeze %dma_wait3A_290 : memref<1x80x128xf32, #tpu.memory_space<vmem>> -> memref<80x128xf32, #tpu.memory_space<vmem>>
      %dma_wait3A_292 = arith.constant 0 : i32
      %dma_wait3A_293 = tpu.memref_slice %arg2[%add3A_280, %dma_wait3A_292] : memref<320000x128xf32, #tpu.memory_space<hbm>> -> memref<80x128xf32, #tpu.memory_space<hbm>>
      tpu.wait_dma2 semaphore(%arg12 : memref<!tpu.dma_semaphore, #tpu.memory_space<semaphore_mem>>) src(%dma_wait3A_293 : memref<80x128xf32, #tpu.memory_space<hbm>>) dst(%dma_wait3A_291 : memref<80x128xf32, #tpu.memory_space<vmem>>)
      %mul3A_294 = arith.constant 80 : i32
      %mul3A_295 = arith.muli %add3A_277, %mul3A_294 : i32
      %add3A_296 = arith.addi %mul3A_2, %mul3A_295 : i32
      %dma_wait3A_297 = arith.constant 0 : i32
      %dma_wait3A_298 = arith.constant 0 : i32
      %dma_wait3A_299 = arith.constant 0 : i32
      %dma_wait3A_300 = tpu.memref_slice %arg9[%dma_wait3A_297, %dma_wait3A_298, %dma_wait3A_299] : memref<3x1x80xi32, #tpu.memory_space<vmem>> -> memref<1x1x80xi32, #tpu.memory_space<vmem>>
      %dma_wait3A_301 = tpu.memref_squeeze %dma_wait3A_300 : memref<1x1x80xi32, #tpu.memory_space<vmem>> -> memref<80xi32, #tpu.memory_space<vmem>>
      %dma_wait3A_302 = tpu.memref_slice %arg3[%add3A_296] : memref<320000xi32, #tpu.memory_space<hbm>> -> memref<80xi32, #tpu.memory_space<hbm>>
      %dma_wait3A_303 = arith.constant 0 : i32
      %dma_wait3A_304 = tpu.memref_slice %arg9[%dma_wait3A_297, %dma_wait3A_298, %dma_wait3A_303] : memref<3x1x80xi32, #tpu.memory_space<vmem>> -> memref<1x1x80xi32, #tpu.memory_space<vmem>>
      %dma_wait3A_305 = tpu.memref_squeeze %dma_wait3A_304 : memref<1x1x80xi32, #tpu.memory_space<vmem>> -> memref<80xi32, #tpu.memory_space<vmem>>
      %dma_wait3A_306 = tpu.memref_slice %arg3[%add3A_296] : memref<320000xi32, #tpu.memory_space<hbm>> -> memref<80xi32, #tpu.memory_space<hbm>>
      tpu.wait_dma2 semaphore(%arg15 : memref<!tpu.dma_semaphore, #tpu.memory_space<semaphore_mem>>) src(%dma_wait3A_306 : memref<80xi32, #tpu.memory_space<hbm>>) dst(%dma_wait3A_305 : memref<80xi32, #tpu.memory_space<vmem>>)
      %dma_start3A_307 = arith.constant 0 : i32
      %dma_start3A_308 = arith.constant 0 : i32
      %dma_start3A_309 = arith.constant 0 : i32
      %dma_start3A_310 = arith.constant 0 : i32
      %dma_start3A_311 = arith.constant 0 : i32
      %dma_start3A_312 = tpu.memref_slice %arg8[%dma_start3A_307, %dma_start3A_310, %dma_start3A_311] : memref<3x80x128xf32, #tpu.memory_space<vmem>> -> memref<1x80x128xf32, #tpu.memory_space<vmem>>
      %dma_start3A_313 = tpu.memref_squeeze %dma_start3A_312 : memref<1x80x128xf32, #tpu.memory_space<vmem>> -> memref<80x128xf32, #tpu.memory_space<vmem>>
      %dma_start3A_314 = arith.constant 0 : i32
      %dma_start3A_315 = tpu.memref_slice %arg9[%dma_start3A_308, %dma_start3A_309, %dma_start3A_314] : memref<3x1x80xi32, #tpu.memory_space<vmem>> -> memref<1x1x80xi32, #tpu.memory_space<vmem>>
      %dma_start3A_316 = tpu.memref_squeeze %dma_start3A_315 : memref<1x1x80xi32, #tpu.memory_space<vmem>> -> memref<80xi32, #tpu.memory_space<vmem>>
      %dma_start3A_317 = arith.constant 0 : i32
      %dma_start3A_318 = arith.constant 0 : i32
      %dma_start3A_319 = tpu.memref_slice %arg6[%dma_start3A_317, %dma_start3A_318] : memref<10000x128xf32, #tpu.memory_space<vmem_shared>> -> memref<10000x128xf32, #tpu.memory_space<vmem_shared>>
      tpu.enqueue_indirect_dma source(%dma_start3A_313 : memref<80x128xf32, #tpu.memory_space<vmem>>) target(%dma_start3A_319 : memref<10000x128xf32, #tpu.memory_space<vmem_shared>>) offsets(%dma_start3A_316 : memref<80xi32, #tpu.memory_space<vmem>>) semaphore(%arg18 : memref<!tpu.dma_semaphore, #tpu.memory_space<semaphore_mem>>) {add = true}
      %dma_start3A_320 = arith.constant 0 : i32
      %dma_start3A_321 = arith.constant 0 : i32
      %dma_start3A_322 = arith.constant 0 : i32
      %dma_start3A_323 = tpu.memref_slice %arg9[%dma_start3A_320, %dma_start3A_321, %dma_start3A_322] : memref<3x1x80xi32, #tpu.memory_space<vmem>> -> memref<1x1x80xi32, #tpu.memory_space<vmem>>
      %dma_start3A_324 = tpu.memref_squeeze %dma_start3A_323 : memref<1x1x80xi32, #tpu.memory_space<vmem>> -> memref<80xi32, #tpu.memory_space<vmem>>
      %dma_start3A_325 = arith.constant 0 : i32
      %dma_start3A_326 = arith.constant 0 : i32
      %dma_start3A_327 = tpu.memref_slice %arg7[%dma_start3A_325, %dma_start3A_326] : memref<10000x16xf32, #tpu.memory_space<vmem_shared>> -> memref<10000x16xf32, #tpu.memory_space<vmem_shared>>
      tpu.enqueue_indirect_dma source(%arg10 : memref<80x16xf32, #tpu.memory_space<vmem>>) target(%dma_start3A_327 : memref<10000x16xf32, #tpu.memory_space<vmem_shared>>) offsets(%dma_start3A_324 : memref<80xi32, #tpu.memory_space<vmem>>) semaphore(%arg21 : memref<!tpu.dma_semaphore, #tpu.memory_space<semaphore_mem>>) {add = true}
      %ge3A = arith.constant 1 : i32
      %ge3A_328 = arith.cmpi sge, %add3A_277, %ge3A : i32
      %convert_element_type3A = arith.extui %ge3A_328 : i1 to i32
      %cond3A = arith.constant 0 : i32
      %cond3A_329 = arith.cmpi ne, %convert_element_type3A, %cond3A : i32
      scf.if %cond3A_329 {
        %dma_wait3A_468 = arith.constant 0 : i32
        %dma_wait3A_469 = arith.constant 0 : i32
        %dma_wait3A_470 = arith.constant 0 : i32
        %dma_wait3A_471 = tpu.memref_slice %arg9[%dma_wait3A_468, %dma_wait3A_469, %dma_wait3A_470] : memref<3x1x80xi32, #tpu.memory_space<vmem>> -> memref<1x1x80xi32, #tpu.memory_space<vmem>>
        %dma_wait3A_472 = tpu.memref_squeeze %dma_wait3A_471 : memref<1x1x80xi32, #tpu.memory_space<vmem>> -> memref<80xi32, #tpu.memory_space<vmem>>
        %dma_wait3A_473 = arith.constant 0 : i32
        %dma_wait3A_474 = arith.constant 0 : i32
        %dma_wait3A_475 = tpu.memref_slice %arg7[%dma_wait3A_473, %dma_wait3A_474] : memref<10000x16xf32, #tpu.memory_space<vmem_shared>> -> memref<10000x16xf32, #tpu.memory_space<vmem_shared>>
        tpu.wait_indirect_dma semaphore(%arg21 : memref<!tpu.dma_semaphore, #tpu.memory_space<semaphore_mem>>) src(%arg10 : memref<80x16xf32, #tpu.memory_space<vmem>>) dst(%dma_wait3A_475 : memref<10000x16xf32, #tpu.memory_space<vmem_shared>>)
        %dma_wait3A_476 = arith.constant 2 : i32
        %dma_wait3A_477 = arith.constant 2 : i32
        %dma_wait3A_478 = arith.constant 0 : i32
        %dma_wait3A_479 = arith.constant 0 : i32
        %dma_wait3A_480 = arith.constant 0 : i32
        %dma_wait3A_481 = tpu.memref_slice %arg8[%dma_wait3A_476, %dma_wait3A_479, %dma_wait3A_480] : memref<3x80x128xf32, #tpu.memory_space<vmem>> -> memref<1x80x128xf32, #tpu.memory_space<vmem>>
        %dma_wait3A_482 = tpu.memref_squeeze %dma_wait3A_481 : memref<1x80x128xf32, #tpu.memory_space<vmem>> -> memref<80x128xf32, #tpu.memory_space<vmem>>
        %dma_wait3A_483 = arith.constant 0 : i32
        %dma_wait3A_484 = tpu.memref_slice %arg9[%dma_wait3A_477, %dma_wait3A_478, %dma_wait3A_483] : memref<3x1x80xi32, #tpu.memory_space<vmem>> -> memref<1x1x80xi32, #tpu.memory_space<vmem>>
        %dma_wait3A_485 = tpu.memref_squeeze %dma_wait3A_484 : memref<1x1x80xi32, #tpu.memory_space<vmem>> -> memref<80xi32, #tpu.memory_space<vmem>>
        %dma_wait3A_486 = arith.constant 0 : i32
        %dma_wait3A_487 = arith.constant 0 : i32
        %dma_wait3A_488 = tpu.memref_slice %arg6[%dma_wait3A_486, %dma_wait3A_487] : memref<10000x128xf32, #tpu.memory_space<vmem_shared>> -> memref<10000x128xf32, #tpu.memory_space<vmem_shared>>
        tpu.wait_indirect_dma semaphore(%arg20 : memref<!tpu.dma_semaphore, #tpu.memory_space<semaphore_mem>>) src(%dma_wait3A_482 : memref<80x128xf32, #tpu.memory_space<vmem>>) dst(%dma_wait3A_488 : memref<10000x128xf32, #tpu.memory_space<vmem_shared>>)
      } else {
      }
      %add3A_330 = arith.constant 2 : i32
      %add3A_331 = arith.addi %add3A_277, %add3A_330 : i32
      %lt3A = arith.constant 125 : i32
      %lt3A_332 = arith.cmpi slt, %add3A_331, %lt3A : i32
      %convert_element_type3A_333 = arith.extui %lt3A_332 : i1 to i32
      %cond3A_334 = arith.constant 0 : i32
      %cond3A_335 = arith.cmpi ne, %convert_element_type3A_333, %cond3A_334 : i32
      scf.if %cond3A_335 {
        %add3A_468 = arith.constant 2 : i32
        %add3A_469 = arith.addi %add3A_277, %add3A_468 : i32
        %mul3A_470 = arith.constant 80 : i32
        %mul3A_471 = arith.muli %add3A_469, %mul3A_470 : i32
        %add3A_472 = arith.addi %mul3A_2, %mul3A_471 : i32
        %dma_start3A_473 = arith.constant 2 : i32
        %dma_start3A_474 = arith.constant 0 : i32
        %dma_start3A_475 = arith.constant 0 : i32
        %dma_start3A_476 = tpu.memref_slice %arg8[%dma_start3A_473, %dma_start3A_474, %dma_start3A_475] : memref<3x80x128xf32, #tpu.memory_space<vmem>> -> memref<1x80x128xf32, #tpu.memory_space<vmem>>
        %dma_start3A_477 = tpu.memref_squeeze %dma_start3A_476 : memref<1x80x128xf32, #tpu.memory_space<vmem>> -> memref<80x128xf32, #tpu.memory_space<vmem>>
        %dma_start3A_478 = arith.constant 0 : i32
        %dma_start3A_479 = tpu.memref_slice %arg2[%add3A_472, %dma_start3A_478] : memref<320000x128xf32, #tpu.memory_space<hbm>> -> memref<80x128xf32, #tpu.memory_space<hbm>>
        %dma_start3A_480 = arith.constant 0 : i32
        %dma_start3A_481 = arith.constant 0 : i32
        %dma_start3A_482 = tpu.memref_slice %arg8[%dma_start3A_473, %dma_start3A_480, %dma_start3A_481] : memref<3x80x128xf32, #tpu.memory_space<vmem>> -> memref<1x80x128xf32, #tpu.memory_space<vmem>>
        %dma_start3A_483 = tpu.memref_squeeze %dma_start3A_482 : memref<1x80x128xf32, #tpu.memory_space<vmem>> -> memref<80x128xf32, #tpu.memory_space<vmem>>
        %dma_start3A_484 = arith.constant 0 : i32
        %dma_start3A_485 = tpu.memref_slice %arg2[%add3A_472, %dma_start3A_484] : memref<320000x128xf32, #tpu.memory_space<hbm>> -> memref<80x128xf32, #tpu.memory_space<hbm>>
        tpu.enqueue_dma source(%dma_start3A_485 : memref<80x128xf32, #tpu.memory_space<hbm>>) target(%dma_start3A_483 : memref<80x128xf32, #tpu.memory_space<vmem>>) target_semaphore(%arg14 : memref<!tpu.dma_semaphore, #tpu.memory_space<semaphore_mem>>)
        %mul3A_486 = arith.constant 80 : i32
        %mul3A_487 = arith.muli %add3A_469, %mul3A_486 : i32
        %add3A_488 = arith.addi %mul3A_2, %mul3A_487 : i32
        %dma_start3A_489 = arith.constant 2 : i32
        %dma_start3A_490 = arith.constant 0 : i32
        %dma_start3A_491 = arith.constant 0 : i32
        %dma_start3A_492 = tpu.memref_slice %arg9[%dma_start3A_489, %dma_start3A_490, %dma_start3A_491] : memref<3x1x80xi32, #tpu.memory_space<vmem>> -> memref<1x1x80xi32, #tpu.memory_space<vmem>>
        %dma_start3A_493 = tpu.memref_squeeze %dma_start3A_492 : memref<1x1x80xi32, #tpu.memory_space<vmem>> -> memref<80xi32, #tpu.memory_space<vmem>>
        %dma_start3A_494 = tpu.memref_slice %arg3[%add3A_488] : memref<320000xi32, #tpu.memory_space<hbm>> -> memref<80xi32, #tpu.memory_space<hbm>>
        %dma_start3A_495 = arith.constant 0 : i32
        %dma_start3A_496 = tpu.memref_slice %arg9[%dma_start3A_489, %dma_start3A_490, %dma_start3A_495] : memref<3x1x80xi32, #tpu.memory_space<vmem>> -> memref<1x1x80xi32, #tpu.memory_space<vmem>>
        %dma_start3A_497 = tpu.memref_squeeze %dma_start3A_496 : memref<1x1x80xi32, #tpu.memory_space<vmem>> -> memref<80xi32, #tpu.memory_space<vmem>>
        %dma_start3A_498 = tpu.memref_slice %arg3[%add3A_488] : memref<320000xi32, #tpu.memory_space<hbm>> -> memref<80xi32, #tpu.memory_space<hbm>>
        tpu.enqueue_dma source(%dma_start3A_498 : memref<80xi32, #tpu.memory_space<hbm>>) target(%dma_start3A_497 : memref<80xi32, #tpu.memory_space<vmem>>) target_semaphore(%arg17 : memref<!tpu.dma_semaphore, #tpu.memory_space<semaphore_mem>>)
      } else {
      }
      %mul3A_336 = arith.constant 3 : i32
      %mul3A_337 = arith.muli %scan3A_273, %mul3A_336 : i32
      %add3A_338 = arith.constant 1 : i32
      %add3A_339 = arith.addi %mul3A_337, %add3A_338 : i32
      %mul3A_340 = arith.constant 80 : i32
      %mul3A_341 = arith.muli %add3A_339, %mul3A_340 : i32
      %add3A_342 = arith.addi %mul3A_2, %mul3A_341 : i32
      %dma_wait3A_343 = arith.constant 1 : i32
      %dma_wait3A_344 = arith.constant 0 : i32
      %dma_wait3A_345 = arith.constant 0 : i32
      %dma_wait3A_346 = tpu.memref_slice %arg8[%dma_wait3A_343, %dma_wait3A_344, %dma_wait3A_345] : memref<3x80x128xf32, #tpu.memory_space<vmem>> -> memref<1x80x128xf32, #tpu.memory_space<vmem>>
      %dma_wait3A_347 = tpu.memref_squeeze %dma_wait3A_346 : memref<1x80x128xf32, #tpu.memory_space<vmem>> -> memref<80x128xf32, #tpu.memory_space<vmem>>
      %dma_wait3A_348 = arith.constant 0 : i32
      %dma_wait3A_349 = tpu.memref_slice %arg2[%add3A_342, %dma_wait3A_348] : memref<320000x128xf32, #tpu.memory_space<hbm>> -> memref<80x128xf32, #tpu.memory_space<hbm>>
      %dma_wait3A_350 = arith.constant 0 : i32
      %dma_wait3A_351 = arith.constant 0 : i32
      %dma_wait3A_352 = tpu.memref_slice %arg8[%dma_wait3A_343, %dma_wait3A_350, %dma_wait3A_351] : memref<3x80x128xf32, #tpu.memory_space<vmem>> -> memref<1x80x128xf32, #tpu.memory_space<vmem>>
      %dma_wait3A_353 = tpu.memref_squeeze %dma_wait3A_352 : memref<1x80x128xf32, #tpu.memory_space<vmem>> -> memref<80x128xf32, #tpu.memory_space<vmem>>
      %dma_wait3A_354 = arith.constant 0 : i32
      %dma_wait3A_355 = tpu.memref_slice %arg2[%add3A_342, %dma_wait3A_354] : memref<320000x128xf32, #tpu.memory_space<hbm>> -> memref<80x128xf32, #tpu.memory_space<hbm>>
      tpu.wait_dma2 semaphore(%arg13 : memref<!tpu.dma_semaphore, #tpu.memory_space<semaphore_mem>>) src(%dma_wait3A_355 : memref<80x128xf32, #tpu.memory_space<hbm>>) dst(%dma_wait3A_353 : memref<80x128xf32, #tpu.memory_space<vmem>>)
      %mul3A_356 = arith.constant 80 : i32
      %mul3A_357 = arith.muli %add3A_339, %mul3A_356 : i32
      %add3A_358 = arith.addi %mul3A_2, %mul3A_357 : i32
      %dma_wait3A_359 = arith.constant 1 : i32
      %dma_wait3A_360 = arith.constant 0 : i32
      %dma_wait3A_361 = arith.constant 0 : i32
      %dma_wait3A_362 = tpu.memref_slice %arg9[%dma_wait3A_359, %dma_wait3A_360, %dma_wait3A_361] : memref<3x1x80xi32, #tpu.memory_space<vmem>> -> memref<1x1x80xi32, #tpu.memory_space<vmem>>
      %dma_wait3A_363 = tpu.memref_squeeze %dma_wait3A_362 : memref<1x1x80xi32, #tpu.memory_space<vmem>> -> memref<80xi32, #tpu.memory_space<vmem>>
      %dma_wait3A_364 = tpu.memref_slice %arg3[%add3A_358] : memref<320000xi32, #tpu.memory_space<hbm>> -> memref<80xi32, #tpu.memory_space<hbm>>
      %dma_wait3A_365 = arith.constant 0 : i32
      %dma_wait3A_366 = tpu.memref_slice %arg9[%dma_wait3A_359, %dma_wait3A_360, %dma_wait3A_365] : memref<3x1x80xi32, #tpu.memory_space<vmem>> -> memref<1x1x80xi32, #tpu.memory_space<vmem>>
      %dma_wait3A_367 = tpu.memref_squeeze %dma_wait3A_366 : memref<1x1x80xi32, #tpu.memory_space<vmem>> -> memref<80xi32, #tpu.memory_space<vmem>>
      %dma_wait3A_368 = tpu.memref_slice %arg3[%add3A_358] : memref<320000xi32, #tpu.memory_space<hbm>> -> memref<80xi32, #tpu.memory_space<hbm>>
      tpu.wait_dma2 semaphore(%arg16 : memref<!tpu.dma_semaphore, #tpu.memory_space<semaphore_mem>>) src(%dma_wait3A_368 : memref<80xi32, #tpu.memory_space<hbm>>) dst(%dma_wait3A_367 : memref<80xi32, #tpu.memory_space<vmem>>)
      %dma_start3A_369 = arith.constant 1 : i32
      %dma_start3A_370 = arith.constant 1 : i32
      %dma_start3A_371 = arith.constant 0 : i32
      %dma_start3A_372 = arith.constant 0 : i32
      %dma_start3A_373 = arith.constant 0 : i32
      %dma_start3A_374 = tpu.memref_slice %arg8[%dma_start3A_369, %dma_start3A_372, %dma_start3A_373] : memref<3x80x128xf32, #tpu.memory_space<vmem>> -> memref<1x80x128xf32, #tpu.memory_space<vmem>>
      %dma_start3A_375 = tpu.memref_squeeze %dma_start3A_374 : memref<1x80x128xf32, #tpu.memory_space<vmem>> -> memref<80x128xf32, #tpu.memory_space<vmem>>
      %dma_start3A_376 = arith.constant 0 : i32
      %dma_start3A_377 = tpu.memref_slice %arg9[%dma_start3A_370, %dma_start3A_371, %dma_start3A_376] : memref<3x1x80xi32, #tpu.memory_space<vmem>> -> memref<1x1x80xi32, #tpu.memory_space<vmem>>
      %dma_start3A_378 = tpu.memref_squeeze %dma_start3A_377 : memref<1x1x80xi32, #tpu.memory_space<vmem>> -> memref<80xi32, #tpu.memory_space<vmem>>
      %dma_start3A_379 = arith.constant 0 : i32
      %dma_start3A_380 = arith.constant 0 : i32
      %dma_start3A_381 = tpu.memref_slice %arg6[%dma_start3A_379, %dma_start3A_380] : memref<10000x128xf32, #tpu.memory_space<vmem_shared>> -> memref<10000x128xf32, #tpu.memory_space<vmem_shared>>
      tpu.enqueue_indirect_dma source(%dma_start3A_375 : memref<80x128xf32, #tpu.memory_space<vmem>>) target(%dma_start3A_381 : memref<10000x128xf32, #tpu.memory_space<vmem_shared>>) offsets(%dma_start3A_378 : memref<80xi32, #tpu.memory_space<vmem>>) semaphore(%arg19 : memref<!tpu.dma_semaphore, #tpu.memory_space<semaphore_mem>>) {add = true}
      %dma_start3A_382 = arith.constant 1 : i32
      %dma_start3A_383 = arith.constant 0 : i32
      %dma_start3A_384 = arith.constant 0 : i32
      %dma_start3A_385 = tpu.memref_slice %arg9[%dma_start3A_382, %dma_start3A_383, %dma_start3A_384] : memref<3x1x80xi32, #tpu.memory_space<vmem>> -> memref<1x1x80xi32, #tpu.memory_space<vmem>>
      %dma_start3A_386 = tpu.memref_squeeze %dma_start3A_385 : memref<1x1x80xi32, #tpu.memory_space<vmem>> -> memref<80xi32, #tpu.memory_space<vmem>>
      %dma_start3A_387 = arith.constant 0 : i32
      %dma_start3A_388 = arith.constant 0 : i32
      %dma_start3A_389 = tpu.memref_slice %arg7[%dma_start3A_387, %dma_start3A_388] : memref<10000x16xf32, #tpu.memory_space<vmem_shared>> -> memref<10000x16xf32, #tpu.memory_space<vmem_shared>>
      tpu.enqueue_indirect_dma source(%arg10 : memref<80x16xf32, #tpu.memory_space<vmem>>) target(%dma_start3A_389 : memref<10000x16xf32, #tpu.memory_space<vmem_shared>>) offsets(%dma_start3A_386 : memref<80xi32, #tpu.memory_space<vmem>>) semaphore(%arg21 : memref<!tpu.dma_semaphore, #tpu.memory_space<semaphore_mem>>) {add = true}
      %ge3A_390 = arith.constant 1 : i32
      %ge3A_391 = arith.cmpi sge, %add3A_339, %ge3A_390 : i32
      %convert_element_type3A_392 = arith.extui %ge3A_391 : i1 to i32
      %cond3A_393 = arith.constant 0 : i32
      %cond3A_394 = arith.cmpi ne, %convert_element_type3A_392, %cond3A_393 : i32
      scf.if %cond3A_394 {
        %dma_wait3A_468 = arith.constant 1 : i32
        %dma_wait3A_469 = arith.constant 0 : i32
        %dma_wait3A_470 = arith.constant 0 : i32
        %dma_wait3A_471 = tpu.memref_slice %arg9[%dma_wait3A_468, %dma_wait3A_469, %dma_wait3A_470] : memref<3x1x80xi32, #tpu.memory_space<vmem>> -> memref<1x1x80xi32, #tpu.memory_space<vmem>>
        %dma_wait3A_472 = tpu.memref_squeeze %dma_wait3A_471 : memref<1x1x80xi32, #tpu.memory_space<vmem>> -> memref<80xi32, #tpu.memory_space<vmem>>
        %dma_wait3A_473 = arith.constant 0 : i32
        %dma_wait3A_474 = arith.constant 0 : i32
        %dma_wait3A_475 = tpu.memref_slice %arg7[%dma_wait3A_473, %dma_wait3A_474] : memref<10000x16xf32, #tpu.memory_space<vmem_shared>> -> memref<10000x16xf32, #tpu.memory_space<vmem_shared>>
        tpu.wait_indirect_dma semaphore(%arg21 : memref<!tpu.dma_semaphore, #tpu.memory_space<semaphore_mem>>) src(%arg10 : memref<80x16xf32, #tpu.memory_space<vmem>>) dst(%dma_wait3A_475 : memref<10000x16xf32, #tpu.memory_space<vmem_shared>>)
        %dma_wait3A_476 = arith.constant 0 : i32
        %dma_wait3A_477 = arith.constant 0 : i32
        %dma_wait3A_478 = arith.constant 0 : i32
        %dma_wait3A_479 = arith.constant 0 : i32
        %dma_wait3A_480 = arith.constant 0 : i32
        %dma_wait3A_481 = tpu.memref_slice %arg8[%dma_wait3A_476, %dma_wait3A_479, %dma_wait3A_480] : memref<3x80x128xf32, #tpu.memory_space<vmem>> -> memref<1x80x128xf32, #tpu.memory_space<vmem>>
        %dma_wait3A_482 = tpu.memref_squeeze %dma_wait3A_481 : memref<1x80x128xf32, #tpu.memory_space<vmem>> -> memref<80x128xf32, #tpu.memory_space<vmem>>
        %dma_wait3A_483 = arith.constant 0 : i32
        %dma_wait3A_484 = tpu.memref_slice %arg9[%dma_wait3A_477, %dma_wait3A_478, %dma_wait3A_483] : memref<3x1x80xi32, #tpu.memory_space<vmem>> -> memref<1x1x80xi32, #tpu.memory_space<vmem>>
        %dma_wait3A_485 = tpu.memref_squeeze %dma_wait3A_484 : memref<1x1x80xi32, #tpu.memory_space<vmem>> -> memref<80xi32, #tpu.memory_space<vmem>>
        %dma_wait3A_486 = arith.constant 0 : i32
        %dma_wait3A_487 = arith.constant 0 : i32
        %dma_wait3A_488 = tpu.memref_slice %arg6[%dma_wait3A_486, %dma_wait3A_487] : memref<10000x128xf32, #tpu.memory_space<vmem_shared>> -> memref<10000x128xf32, #tpu.memory_space<vmem_shared>>
        tpu.wait_indirect_dma semaphore(%arg18 : memref<!tpu.dma_semaphore, #tpu.memory_space<semaphore_mem>>) src(%dma_wait3A_482 : memref<80x128xf32, #tpu.memory_space<vmem>>) dst(%dma_wait3A_488 : memref<10000x128xf32, #tpu.memory_space<vmem_shared>>)
      } else {
      }
      %add3A_395 = arith.constant 2 : i32
      %add3A_396 = arith.addi %add3A_339, %add3A_395 : i32
      %lt3A_397 = arith.constant 125 : i32
      %lt3A_398 = arith.cmpi slt, %add3A_396, %lt3A_397 : i32
      %convert_element_type3A_399 = arith.extui %lt3A_398 : i1 to i32
      %cond3A_400 = arith.constant 0 : i32
      %cond3A_401 = arith.cmpi ne, %convert_element_type3A_399, %cond3A_400 : i32
      scf.if %cond3A_401 {
        %add3A_468 = arith.constant 2 : i32
        %add3A_469 = arith.addi %add3A_339, %add3A_468 : i32
        %mul3A_470 = arith.constant 80 : i32
        %mul3A_471 = arith.muli %add3A_469, %mul3A_470 : i32
        %add3A_472 = arith.addi %mul3A_2, %mul3A_471 : i32
        %dma_start3A_473 = arith.constant 0 : i32
        %dma_start3A_474 = arith.constant 0 : i32
        %dma_start3A_475 = arith.constant 0 : i32
        %dma_start3A_476 = tpu.memref_slice %arg8[%dma_start3A_473, %dma_start3A_474, %dma_start3A_475] : memref<3x80x128xf32, #tpu.memory_space<vmem>> -> memref<1x80x128xf32, #tpu.memory_space<vmem>>
        %dma_start3A_477 = tpu.memref_squeeze %dma_start3A_476 : memref<1x80x128xf32, #tpu.memory_space<vmem>> -> memref<80x128xf32, #tpu.memory_space<vmem>>
        %dma_start3A_478 = arith.constant 0 : i32
        %dma_start3A_479 = tpu.memref_slice %arg2[%add3A_472, %dma_start3A_478] : memref<320000x128xf32, #tpu.memory_space<hbm>> -> memref<80x128xf32, #tpu.memory_space<hbm>>
        %dma_start3A_480 = arith.constant 0 : i32
        %dma_start3A_481 = arith.constant 0 : i32
        %dma_start3A_482 = tpu.memref_slice %arg8[%dma_start3A_473, %dma_start3A_480, %dma_start3A_481] : memref<3x80x128xf32, #tpu.memory_space<vmem>> -> memref<1x80x128xf32, #tpu.memory_space<vmem>>
        %dma_start3A_483 = tpu.memref_squeeze %dma_start3A_482 : memref<1x80x128xf32, #tpu.memory_space<vmem>> -> memref<80x128xf32, #tpu.memory_space<vmem>>
        %dma_start3A_484 = arith.constant 0 : i32
        %dma_start3A_485 = tpu.memref_slice %arg2[%add3A_472, %dma_start3A_484] : memref<320000x128xf32, #tpu.memory_space<hbm>> -> memref<80x128xf32, #tpu.memory_space<hbm>>
        tpu.enqueue_dma source(%dma_start3A_485 : memref<80x128xf32, #tpu.memory_space<hbm>>) target(%dma_start3A_483 : memref<80x128xf32, #tpu.memory_space<vmem>>) target_semaphore(%arg12 : memref<!tpu.dma_semaphore, #tpu.memory_space<semaphore_mem>>)
        %mul3A_486 = arith.constant 80 : i32
        %mul3A_487 = arith.muli %add3A_469, %mul3A_486 : i32
        %add3A_488 = arith.addi %mul3A_2, %mul3A_487 : i32
        %dma_start3A_489 = arith.constant 0 : i32
        %dma_start3A_490 = arith.constant 0 : i32
        %dma_start3A_491 = arith.constant 0 : i32
        %dma_start3A_492 = tpu.memref_slice %arg9[%dma_start3A_489, %dma_start3A_490, %dma_start3A_491] : memref<3x1x80xi32, #tpu.memory_space<vmem>> -> memref<1x1x80xi32, #tpu.memory_space<vmem>>
        %dma_start3A_493 = tpu.memref_squeeze %dma_start3A_492 : memref<1x1x80xi32, #tpu.memory_space<vmem>> -> memref<80xi32, #tpu.memory_space<vmem>>
        %dma_start3A_494 = tpu.memref_slice %arg3[%add3A_488] : memref<320000xi32, #tpu.memory_space<hbm>> -> memref<80xi32, #tpu.memory_space<hbm>>
        %dma_start3A_495 = arith.constant 0 : i32
        %dma_start3A_496 = tpu.memref_slice %arg9[%dma_start3A_489, %dma_start3A_490, %dma_start3A_495] : memref<3x1x80xi32, #tpu.memory_space<vmem>> -> memref<1x1x80xi32, #tpu.memory_space<vmem>>
        %dma_start3A_497 = tpu.memref_squeeze %dma_start3A_496 : memref<1x1x80xi32, #tpu.memory_space<vmem>> -> memref<80xi32, #tpu.memory_space<vmem>>
        %dma_start3A_498 = tpu.memref_slice %arg3[%add3A_488] : memref<320000xi32, #tpu.memory_space<hbm>> -> memref<80xi32, #tpu.memory_space<hbm>>
        tpu.enqueue_dma source(%dma_start3A_498 : memref<80xi32, #tpu.memory_space<hbm>>) target(%dma_start3A_497 : memref<80xi32, #tpu.memory_space<vmem>>) target_semaphore(%arg15 : memref<!tpu.dma_semaphore, #tpu.memory_space<semaphore_mem>>)
      } else {
      }
      %mul3A_402 = arith.constant 3 : i32
      %mul3A_403 = arith.muli %scan3A_273, %mul3A_402 : i32
      %add3A_404 = arith.constant 2 : i32
      %add3A_405 = arith.addi %mul3A_403, %add3A_404 : i32
      %mul3A_406 = arith.constant 80 : i32
      %mul3A_407 = arith.muli %add3A_405, %mul3A_406 : i32
      %add3A_408 = arith.addi %mul3A_2, %mul3A_407 : i32
      %dma_wait3A_409 = arith.constant 2 : i32
      %dma_wait3A_410 = arith.constant 0 : i32
      %dma_wait3A_411 = arith.constant 0 : i32
      %dma_wait3A_412 = tpu.memref_slice %arg8[%dma_wait3A_409, %dma_wait3A_410, %dma_wait3A_411] : memref<3x80x128xf32, #tpu.memory_space<vmem>> -> memref<1x80x128xf32, #tpu.memory_space<vmem>>
      %dma_wait3A_413 = tpu.memref_squeeze %dma_wait3A_412 : memref<1x80x128xf32, #tpu.memory_space<vmem>> -> memref<80x128xf32, #tpu.memory_space<vmem>>
      %dma_wait3A_414 = arith.constant 0 : i32
      %dma_wait3A_415 = tpu.memref_slice %arg2[%add3A_408, %dma_wait3A_414] : memref<320000x128xf32, #tpu.memory_space<hbm>> -> memref<80x128xf32, #tpu.memory_space<hbm>>
      %dma_wait3A_416 = arith.constant 0 : i32
      %dma_wait3A_417 = arith.constant 0 : i32
      %dma_wait3A_418 = tpu.memref_slice %arg8[%dma_wait3A_409, %dma_wait3A_416, %dma_wait3A_417] : memref<3x80x128xf32, #tpu.memory_space<vmem>> -> memref<1x80x128xf32, #tpu.memory_space<vmem>>
      %dma_wait3A_419 = tpu.memref_squeeze %dma_wait3A_418 : memref<1x80x128xf32, #tpu.memory_space<vmem>> -> memref<80x128xf32, #tpu.memory_space<vmem>>
      %dma_wait3A_420 = arith.constant 0 : i32
      %dma_wait3A_421 = tpu.memref_slice %arg2[%add3A_408, %dma_wait3A_420] : memref<320000x128xf32, #tpu.memory_space<hbm>> -> memref<80x128xf32, #tpu.memory_space<hbm>>
      tpu.wait_dma2 semaphore(%arg14 : memref<!tpu.dma_semaphore, #tpu.memory_space<semaphore_mem>>) src(%dma_wait3A_421 : memref<80x128xf32, #tpu.memory_space<hbm>>) dst(%dma_wait3A_419 : memref<80x128xf32, #tpu.memory_space<vmem>>)
      %mul3A_422 = arith.constant 80 : i32
      %mul3A_423 = arith.muli %add3A_405, %mul3A_422 : i32
      %add3A_424 = arith.addi %mul3A_2, %mul3A_423 : i32
      %dma_wait3A_425 = arith.constant 2 : i32
      %dma_wait3A_426 = arith.constant 0 : i32
      %dma_wait3A_427 = arith.constant 0 : i32
      %dma_wait3A_428 = tpu.memref_slice %arg9[%dma_wait3A_425, %dma_wait3A_426, %dma_wait3A_427] : memref<3x1x80xi32, #tpu.memory_space<vmem>> -> memref<1x1x80xi32, #tpu.memory_space<vmem>>
      %dma_wait3A_429 = tpu.memref_squeeze %dma_wait3A_428 : memref<1x1x80xi32, #tpu.memory_space<vmem>> -> memref<80xi32, #tpu.memory_space<vmem>>
      %dma_wait3A_430 = tpu.memref_slice %arg3[%add3A_424] : memref<320000xi32, #tpu.memory_space<hbm>> -> memref<80xi32, #tpu.memory_space<hbm>>
      %dma_wait3A_431 = arith.constant 0 : i32
      %dma_wait3A_432 = tpu.memref_slice %arg9[%dma_wait3A_425, %dma_wait3A_426, %dma_wait3A_431] : memref<3x1x80xi32, #tpu.memory_space<vmem>> -> memref<1x1x80xi32, #tpu.memory_space<vmem>>
      %dma_wait3A_433 = tpu.memref_squeeze %dma_wait3A_432 : memref<1x1x80xi32, #tpu.memory_space<vmem>> -> memref<80xi32, #tpu.memory_space<vmem>>
      %dma_wait3A_434 = tpu.memref_slice %arg3[%add3A_424] : memref<320000xi32, #tpu.memory_space<hbm>> -> memref<80xi32, #tpu.memory_space<hbm>>
      tpu.wait_dma2 semaphore(%arg17 : memref<!tpu.dma_semaphore, #tpu.memory_space<semaphore_mem>>) src(%dma_wait3A_434 : memref<80xi32, #tpu.memory_space<hbm>>) dst(%dma_wait3A_433 : memref<80xi32, #tpu.memory_space<vmem>>)
      %dma_start3A_435 = arith.constant 2 : i32
      %dma_start3A_436 = arith.constant 2 : i32
      %dma_start3A_437 = arith.constant 0 : i32
      %dma_start3A_438 = arith.constant 0 : i32
      %dma_start3A_439 = arith.constant 0 : i32
      %dma_start3A_440 = tpu.memref_slice %arg8[%dma_start3A_435, %dma_start3A_438, %dma_start3A_439] : memref<3x80x128xf32, #tpu.memory_space<vmem>> -> memref<1x80x128xf32, #tpu.memory_space<vmem>>
      %dma_start3A_441 = tpu.memref_squeeze %dma_start3A_440 : memref<1x80x128xf32, #tpu.memory_space<vmem>> -> memref<80x128xf32, #tpu.memory_space<vmem>>
      %dma_start3A_442 = arith.constant 0 : i32
      %dma_start3A_443 = tpu.memref_slice %arg9[%dma_start3A_436, %dma_start3A_437, %dma_start3A_442] : memref<3x1x80xi32, #tpu.memory_space<vmem>> -> memref<1x1x80xi32, #tpu.memory_space<vmem>>
      %dma_start3A_444 = tpu.memref_squeeze %dma_start3A_443 : memref<1x1x80xi32, #tpu.memory_space<vmem>> -> memref<80xi32, #tpu.memory_space<vmem>>
      %dma_start3A_445 = arith.constant 0 : i32
      %dma_start3A_446 = arith.constant 0 : i32
      %dma_start3A_447 = tpu.memref_slice %arg6[%dma_start3A_445, %dma_start3A_446] : memref<10000x128xf32, #tpu.memory_space<vmem_shared>> -> memref<10000x128xf32, #tpu.memory_space<vmem_shared>>
      tpu.enqueue_indirect_dma source(%dma_start3A_441 : memref<80x128xf32, #tpu.memory_space<vmem>>) target(%dma_start3A_447 : memref<10000x128xf32, #tpu.memory_space<vmem_shared>>) offsets(%dma_start3A_444 : memref<80xi32, #tpu.memory_space<vmem>>) semaphore(%arg20 : memref<!tpu.dma_semaphore, #tpu.memory_space<semaphore_mem>>) {add = true}
      %dma_start3A_448 = arith.constant 2 : i32
      %dma_start3A_449 = arith.constant 0 : i32
      %dma_start3A_450 = arith.constant 0 : i32
      %dma_start3A_451 = tpu.memref_slice %arg9[%dma_start3A_448, %dma_start3A_449, %dma_start3A_450] : memref<3x1x80xi32, #tpu.memory_space<vmem>> -> memref<1x1x80xi32, #tpu.memory_space<vmem>>
      %dma_start3A_452 = tpu.memref_squeeze %dma_start3A_451 : memref<1x1x80xi32, #tpu.memory_space<vmem>> -> memref<80xi32, #tpu.memory_space<vmem>>
      %dma_start3A_453 = arith.constant 0 : i32
      %dma_start3A_454 = arith.constant 0 : i32
      %dma_start3A_455 = tpu.memref_slice %arg7[%dma_start3A_453, %dma_start3A_454] : memref<10000x16xf32, #tpu.memory_space<vmem_shared>> -> memref<10000x16xf32, #tpu.memory_space<vmem_shared>>
      tpu.enqueue_indirect_dma source(%arg10 : memref<80x16xf32, #tpu.memory_space<vmem>>) target(%dma_start3A_455 : memref<10000x16xf32, #tpu.memory_space<vmem_shared>>) offsets(%dma_start3A_452 : memref<80xi32, #tpu.memory_space<vmem>>) semaphore(%arg21 : memref<!tpu.dma_semaphore, #tpu.memory_space<semaphore_mem>>) {add = true}
      %ge3A_456 = arith.constant 1 : i32
      %ge3A_457 = arith.cmpi sge, %add3A_405, %ge3A_456 : i32
      %convert_element_type3A_458 = arith.extui %ge3A_457 : i1 to i32
      %cond3A_459 = arith.constant 0 : i32
      %cond3A_460 = arith.cmpi ne, %convert_element_type3A_458, %cond3A_459 : i32
      scf.if %cond3A_460 {
        %dma_wait3A_468 = arith.constant 2 : i32
        %dma_wait3A_469 = arith.constant 0 : i32
        %dma_wait3A_470 = arith.constant 0 : i32
        %dma_wait3A_471 = tpu.memref_slice %arg9[%dma_wait3A_468, %dma_wait3A_469, %dma_wait3A_470] : memref<3x1x80xi32, #tpu.memory_space<vmem>> -> memref<1x1x80xi32, #tpu.memory_space<vmem>>
        %dma_wait3A_472 = tpu.memref_squeeze %dma_wait3A_471 : memref<1x1x80xi32, #tpu.memory_space<vmem>> -> memref<80xi32, #tpu.memory_space<vmem>>
        %dma_wait3A_473 = arith.constant 0 : i32
        %dma_wait3A_474 = arith.constant 0 : i32
        %dma_wait3A_475 = tpu.memref_slice %arg7[%dma_wait3A_473, %dma_wait3A_474] : memref<10000x16xf32, #tpu.memory_space<vmem_shared>> -> memref<10000x16xf32, #tpu.memory_space<vmem_shared>>
        tpu.wait_indirect_dma semaphore(%arg21 : memref<!tpu.dma_semaphore, #tpu.memory_space<semaphore_mem>>) src(%arg10 : memref<80x16xf32, #tpu.memory_space<vmem>>) dst(%dma_wait3A_475 : memref<10000x16xf32, #tpu.memory_space<vmem_shared>>)
        %dma_wait3A_476 = arith.constant 1 : i32
        %dma_wait3A_477 = arith.constant 1 : i32
        %dma_wait3A_478 = arith.constant 0 : i32
        %dma_wait3A_479 = arith.constant 0 : i32
        %dma_wait3A_480 = arith.constant 0 : i32
        %dma_wait3A_481 = tpu.memref_slice %arg8[%dma_wait3A_476, %dma_wait3A_479, %dma_wait3A_480] : memref<3x80x128xf32, #tpu.memory_space<vmem>> -> memref<1x80x128xf32, #tpu.memory_space<vmem>>
        %dma_wait3A_482 = tpu.memref_squeeze %dma_wait3A_481 : memref<1x80x128xf32, #tpu.memory_space<vmem>> -> memref<80x128xf32, #tpu.memory_space<vmem>>
        %dma_wait3A_483 = arith.constant 0 : i32
        %dma_wait3A_484 = tpu.memref_slice %arg9[%dma_wait3A_477, %dma_wait3A_478, %dma_wait3A_483] : memref<3x1x80xi32, #tpu.memory_space<vmem>> -> memref<1x1x80xi32, #tpu.memory_space<vmem>>
        %dma_wait3A_485 = tpu.memref_squeeze %dma_wait3A_484 : memref<1x1x80xi32, #tpu.memory_space<vmem>> -> memref<80xi32, #tpu.memory_space<vmem>>
        %dma_wait3A_486 = arith.constant 0 : i32
        %dma_wait3A_487 = arith.constant 0 : i32
        %dma_wait3A_488 = tpu.memref_slice %arg6[%dma_wait3A_486, %dma_wait3A_487] : memref<10000x128xf32, #tpu.memory_space<vmem_shared>> -> memref<10000x128xf32, #tpu.memory_space<vmem_shared>>
        tpu.wait_indirect_dma semaphore(%arg19 : memref<!tpu.dma_semaphore, #tpu.memory_space<semaphore_mem>>) src(%dma_wait3A_482 : memref<80x128xf32, #tpu.memory_space<vmem>>) dst(%dma_wait3A_488 : memref<10000x128xf32, #tpu.memory_space<vmem_shared>>)
      } else {
      }
      %add3A_461 = arith.constant 2 : i32
      %add3A_462 = arith.addi %add3A_405, %add3A_461 : i32
      %lt3A_463 = arith.constant 125 : i32
      %lt3A_464 = arith.cmpi slt, %add3A_462, %lt3A_463 : i32
      %convert_element_type3A_465 = arith.extui %lt3A_464 : i1 to i32
      %cond3A_466 = arith.constant 0 : i32
      %cond3A_467 = arith.cmpi ne, %convert_element_type3A_465, %cond3A_466 : i32
      scf.if %cond3A_467 {
        %add3A_468 = arith.constant 2 : i32
        %add3A_469 = arith.addi %add3A_405, %add3A_468 : i32
        %mul3A_470 = arith.constant 80 : i32
        %mul3A_471 = arith.muli %add3A_469, %mul3A_470 : i32
        %add3A_472 = arith.addi %mul3A_2, %mul3A_471 : i32
        %dma_start3A_473 = arith.constant 1 : i32
        %dma_start3A_474 = arith.constant 0 : i32
        %dma_start3A_475 = arith.constant 0 : i32
        %dma_start3A_476 = tpu.memref_slice %arg8[%dma_start3A_473, %dma_start3A_474, %dma_start3A_475] : memref<3x80x128xf32, #tpu.memory_space<vmem>> -> memref<1x80x128xf32, #tpu.memory_space<vmem>>
        %dma_start3A_477 = tpu.memref_squeeze %dma_start3A_476 : memref<1x80x128xf32, #tpu.memory_space<vmem>> -> memref<80x128xf32, #tpu.memory_space<vmem>>
        %dma_start3A_478 = arith.constant 0 : i32
        %dma_start3A_479 = tpu.memref_slice %arg2[%add3A_472, %dma_start3A_478] : memref<320000x128xf32, #tpu.memory_space<hbm>> -> memref<80x128xf32, #tpu.memory_space<hbm>>
        %dma_start3A_480 = arith.constant 0 : i32
        %dma_start3A_481 = arith.constant 0 : i32
        %dma_start3A_482 = tpu.memref_slice %arg8[%dma_start3A_473, %dma_start3A_480, %dma_start3A_481] : memref<3x80x128xf32, #tpu.memory_space<vmem>> -> memref<1x80x128xf32, #tpu.memory_space<vmem>>
        %dma_start3A_483 = tpu.memref_squeeze %dma_start3A_482 : memref<1x80x128xf32, #tpu.memory_space<vmem>> -> memref<80x128xf32, #tpu.memory_space<vmem>>
        %dma_start3A_484 = arith.constant 0 : i32
        %dma_start3A_485 = tpu.memref_slice %arg2[%add3A_472, %dma_start3A_484] : memref<320000x128xf32, #tpu.memory_space<hbm>> -> memref<80x128xf32, #tpu.memory_space<hbm>>
        tpu.enqueue_dma source(%dma_start3A_485 : memref<80x128xf32, #tpu.memory_space<hbm>>) target(%dma_start3A_483 : memref<80x128xf32, #tpu.memory_space<vmem>>) target_semaphore(%arg13 : memref<!tpu.dma_semaphore, #tpu.memory_space<semaphore_mem>>)
        %mul3A_486 = arith.constant 80 : i32
        %mul3A_487 = arith.muli %add3A_469, %mul3A_486 : i32
        %add3A_488 = arith.addi %mul3A_2, %mul3A_487 : i32
        %dma_start3A_489 = arith.constant 1 : i32
        %dma_start3A_490 = arith.constant 0 : i32
        %dma_start3A_491 = arith.constant 0 : i32
        %dma_start3A_492 = tpu.memref_slice %arg9[%dma_start3A_489, %dma_start3A_490, %dma_start3A_491] : memref<3x1x80xi32, #tpu.memory_space<vmem>> -> memref<1x1x80xi32, #tpu.memory_space<vmem>>
        %dma_start3A_493 = tpu.memref_squeeze %dma_start3A_492 : memref<1x1x80xi32, #tpu.memory_space<vmem>> -> memref<80xi32, #tpu.memory_space<vmem>>
        %dma_start3A_494 = tpu.memref_slice %arg3[%add3A_488] : memref<320000xi32, #tpu.memory_space<hbm>> -> memref<80xi32, #tpu.memory_space<hbm>>
        %dma_start3A_495 = arith.constant 0 : i32
        %dma_start3A_496 = tpu.memref_slice %arg9[%dma_start3A_489, %dma_start3A_490, %dma_start3A_495] : memref<3x1x80xi32, #tpu.memory_space<vmem>> -> memref<1x1x80xi32, #tpu.memory_space<vmem>>
        %dma_start3A_497 = tpu.memref_squeeze %dma_start3A_496 : memref<1x1x80xi32, #tpu.memory_space<vmem>> -> memref<80xi32, #tpu.memory_space<vmem>>
        %dma_start3A_498 = tpu.memref_slice %arg3[%add3A_488] : memref<320000xi32, #tpu.memory_space<hbm>> -> memref<80xi32, #tpu.memory_space<hbm>>
        tpu.enqueue_dma source(%dma_start3A_498 : memref<80xi32, #tpu.memory_space<hbm>>) target(%dma_start3A_497 : memref<80xi32, #tpu.memory_space<vmem>>) target_semaphore(%arg16 : memref<!tpu.dma_semaphore, #tpu.memory_space<semaphore_mem>>)
      } else {
      }
    }
    %scan3A_105 = arith.constant 41 : i32
    %add3A_106 = arith.constant 9840 : i32
    %add3A_107 = arith.addi %mul3A_2, %add3A_106 : i32
    %dma_wait3A = arith.constant 0 : i32
    %dma_wait3A_108 = arith.constant 0 : i32
    %dma_wait3A_109 = arith.constant 0 : i32
    %dma_wait3A_110 = tpu.memref_slice %arg8[%dma_wait3A, %dma_wait3A_108, %dma_wait3A_109] : memref<3x80x128xf32, #tpu.memory_space<vmem>> -> memref<1x80x128xf32, #tpu.memory_space<vmem>>
    %dma_wait3A_111 = tpu.memref_squeeze %dma_wait3A_110 : memref<1x80x128xf32, #tpu.memory_space<vmem>> -> memref<80x128xf32, #tpu.memory_space<vmem>>
    %dma_wait3A_112 = arith.constant 0 : i32
    %dma_wait3A_113 = tpu.memref_slice %arg2[%add3A_107, %dma_wait3A_112] : memref<320000x128xf32, #tpu.memory_space<hbm>> -> memref<80x128xf32, #tpu.memory_space<hbm>>
    %dma_wait3A_114 = arith.constant 0 : i32
    %dma_wait3A_115 = arith.constant 0 : i32
    %dma_wait3A_116 = tpu.memref_slice %arg8[%dma_wait3A, %dma_wait3A_114, %dma_wait3A_115] : memref<3x80x128xf32, #tpu.memory_space<vmem>> -> memref<1x80x128xf32, #tpu.memory_space<vmem>>
    %dma_wait3A_117 = tpu.memref_squeeze %dma_wait3A_116 : memref<1x80x128xf32, #tpu.memory_space<vmem>> -> memref<80x128xf32, #tpu.memory_space<vmem>>
    %dma_wait3A_118 = arith.constant 0 : i32
    %dma_wait3A_119 = tpu.memref_slice %arg2[%add3A_107, %dma_wait3A_118] : memref<320000x128xf32, #tpu.memory_space<hbm>> -> memref<80x128xf32, #tpu.memory_space<hbm>>
    tpu.wait_dma2 semaphore(%arg12 : memref<!tpu.dma_semaphore, #tpu.memory_space<semaphore_mem>>) src(%dma_wait3A_119 : memref<80x128xf32, #tpu.memory_space<hbm>>) dst(%dma_wait3A_117 : memref<80x128xf32, #tpu.memory_space<vmem>>)
    %add3A_120 = arith.constant 9840 : i32
    %add3A_121 = arith.addi %mul3A_2, %add3A_120 : i32
    %dma_wait3A_122 = arith.constant 0 : i32
    %dma_wait3A_123 = arith.constant 0 : i32
    %dma_wait3A_124 = arith.constant 0 : i32
    %dma_wait3A_125 = tpu.memref_slice %arg9[%dma_wait3A_122, %dma_wait3A_123, %dma_wait3A_124] : memref<3x1x80xi32, #tpu.memory_space<vmem>> -> memref<1x1x80xi32, #tpu.memory_space<vmem>>
    %dma_wait3A_126 = tpu.memref_squeeze %dma_wait3A_125 : memref<1x1x80xi32, #tpu.memory_space<vmem>> -> memref<80xi32, #tpu.memory_space<vmem>>
    %dma_wait3A_127 = tpu.memref_slice %arg3[%add3A_121] : memref<320000xi32, #tpu.memory_space<hbm>> -> memref<80xi32, #tpu.memory_space<hbm>>
    %dma_wait3A_128 = arith.constant 0 : i32
    %dma_wait3A_129 = tpu.memref_slice %arg9[%dma_wait3A_122, %dma_wait3A_123, %dma_wait3A_128] : memref<3x1x80xi32, #tpu.memory_space<vmem>> -> memref<1x1x80xi32, #tpu.memory_space<vmem>>
    %dma_wait3A_130 = tpu.memref_squeeze %dma_wait3A_129 : memref<1x1x80xi32, #tpu.memory_space<vmem>> -> memref<80xi32, #tpu.memory_space<vmem>>
    %dma_wait3A_131 = tpu.memref_slice %arg3[%add3A_121] : memref<320000xi32, #tpu.memory_space<hbm>> -> memref<80xi32, #tpu.memory_space<hbm>>
    tpu.wait_dma2 semaphore(%arg15 : memref<!tpu.dma_semaphore, #tpu.memory_space<semaphore_mem>>) src(%dma_wait3A_131 : memref<80xi32, #tpu.memory_space<hbm>>) dst(%dma_wait3A_130 : memref<80xi32, #tpu.memory_space<vmem>>)
    %dma_start3A_132 = arith.constant 0 : i32
    %dma_start3A_133 = arith.constant 0 : i32
    %dma_start3A_134 = arith.constant 0 : i32
    %dma_start3A_135 = arith.constant 0 : i32
    %dma_start3A_136 = arith.constant 0 : i32
    %dma_start3A_137 = tpu.memref_slice %arg8[%dma_start3A_132, %dma_start3A_135, %dma_start3A_136] : memref<3x80x128xf32, #tpu.memory_space<vmem>> -> memref<1x80x128xf32, #tpu.memory_space<vmem>>
    %dma_start3A_138 = tpu.memref_squeeze %dma_start3A_137 : memref<1x80x128xf32, #tpu.memory_space<vmem>> -> memref<80x128xf32, #tpu.memory_space<vmem>>
    %dma_start3A_139 = arith.constant 0 : i32
    %dma_start3A_140 = tpu.memref_slice %arg9[%dma_start3A_133, %dma_start3A_134, %dma_start3A_139] : memref<3x1x80xi32, #tpu.memory_space<vmem>> -> memref<1x1x80xi32, #tpu.memory_space<vmem>>
    %dma_start3A_141 = tpu.memref_squeeze %dma_start3A_140 : memref<1x1x80xi32, #tpu.memory_space<vmem>> -> memref<80xi32, #tpu.memory_space<vmem>>
    %dma_start3A_142 = arith.constant 0 : i32
    %dma_start3A_143 = arith.constant 0 : i32
    %dma_start3A_144 = tpu.memref_slice %arg6[%dma_start3A_142, %dma_start3A_143] : memref<10000x128xf32, #tpu.memory_space<vmem_shared>> -> memref<10000x128xf32, #tpu.memory_space<vmem_shared>>
    tpu.enqueue_indirect_dma source(%dma_start3A_138 : memref<80x128xf32, #tpu.memory_space<vmem>>) target(%dma_start3A_144 : memref<10000x128xf32, #tpu.memory_space<vmem_shared>>) offsets(%dma_start3A_141 : memref<80xi32, #tpu.memory_space<vmem>>) semaphore(%arg18 : memref<!tpu.dma_semaphore, #tpu.memory_space<semaphore_mem>>) {add = true}
    %dma_start3A_145 = arith.constant 0 : i32
    %dma_start3A_146 = arith.constant 0 : i32
    %dma_start3A_147 = arith.constant 0 : i32
    %dma_start3A_148 = tpu.memref_slice %arg9[%dma_start3A_145, %dma_start3A_146, %dma_start3A_147] : memref<3x1x80xi32, #tpu.memory_space<vmem>> -> memref<1x1x80xi32, #tpu.memory_space<vmem>>
    %dma_start3A_149 = tpu.memref_squeeze %dma_start3A_148 : memref<1x1x80xi32, #tpu.memory_space<vmem>> -> memref<80xi32, #tpu.memory_space<vmem>>
    %dma_start3A_150 = arith.constant 0 : i32
    %dma_start3A_151 = arith.constant 0 : i32
    %dma_start3A_152 = tpu.memref_slice %arg7[%dma_start3A_150, %dma_start3A_151] : memref<10000x16xf32, #tpu.memory_space<vmem_shared>> -> memref<10000x16xf32, #tpu.memory_space<vmem_shared>>
    tpu.enqueue_indirect_dma source(%arg10 : memref<80x16xf32, #tpu.memory_space<vmem>>) target(%dma_start3A_152 : memref<10000x16xf32, #tpu.memory_space<vmem_shared>>) offsets(%dma_start3A_149 : memref<80xi32, #tpu.memory_space<vmem>>) semaphore(%arg21 : memref<!tpu.dma_semaphore, #tpu.memory_space<semaphore_mem>>) {add = true}
    %dma_wait3A_153 = arith.constant 0 : i32
    %dma_wait3A_154 = arith.constant 0 : i32
    %dma_wait3A_155 = arith.constant 0 : i32
    %dma_wait3A_156 = tpu.memref_slice %arg9[%dma_wait3A_153, %dma_wait3A_154, %dma_wait3A_155] : memref<3x1x80xi32, #tpu.memory_space<vmem>> -> memref<1x1x80xi32, #tpu.memory_space<vmem>>
    %dma_wait3A_157 = tpu.memref_squeeze %dma_wait3A_156 : memref<1x1x80xi32, #tpu.memory_space<vmem>> -> memref<80xi32, #tpu.memory_space<vmem>>
    %dma_wait3A_158 = arith.constant 0 : i32
    %dma_wait3A_159 = arith.constant 0 : i32
    %dma_wait3A_160 = tpu.memref_slice %arg7[%dma_wait3A_158, %dma_wait3A_159] : memref<10000x16xf32, #tpu.memory_space<vmem_shared>> -> memref<10000x16xf32, #tpu.memory_space<vmem_shared>>
    tpu.wait_indirect_dma semaphore(%arg21 : memref<!tpu.dma_semaphore, #tpu.memory_space<semaphore_mem>>) src(%arg10 : memref<80x16xf32, #tpu.memory_space<vmem>>) dst(%dma_wait3A_160 : memref<10000x16xf32, #tpu.memory_space<vmem_shared>>)
    %dma_wait3A_161 = arith.constant 2 : i32
    %dma_wait3A_162 = arith.constant 2 : i32
    %dma_wait3A_163 = arith.constant 0 : i32
    %dma_wait3A_164 = arith.constant 0 : i32
    %dma_wait3A_165 = arith.constant 0 : i32
    %dma_wait3A_166 = tpu.memref_slice %arg8[%dma_wait3A_161, %dma_wait3A_164, %dma_wait3A_165] : memref<3x80x128xf32, #tpu.memory_space<vmem>> -> memref<1x80x128xf32, #tpu.memory_space<vmem>>
    %dma_wait3A_167 = tpu.memref_squeeze %dma_wait3A_166 : memref<1x80x128xf32, #tpu.memory_space<vmem>> -> memref<80x128xf32, #tpu.memory_space<vmem>>
    %dma_wait3A_168 = arith.constant 0 : i32
    %dma_wait3A_169 = tpu.memref_slice %arg9[%dma_wait3A_162, %dma_wait3A_163, %dma_wait3A_168] : memref<3x1x80xi32, #tpu.memory_space<vmem>> -> memref<1x1x80xi32, #tpu.memory_space<vmem>>
    %dma_wait3A_170 = tpu.memref_squeeze %dma_wait3A_169 : memref<1x1x80xi32, #tpu.memory_space<vmem>> -> memref<80xi32, #tpu.memory_space<vmem>>
    %dma_wait3A_171 = arith.constant 0 : i32
    %dma_wait3A_172 = arith.constant 0 : i32
    %dma_wait3A_173 = tpu.memref_slice %arg6[%dma_wait3A_171, %dma_wait3A_172] : memref<10000x128xf32, #tpu.memory_space<vmem_shared>> -> memref<10000x128xf32, #tpu.memory_space<vmem_shared>>
    tpu.wait_indirect_dma semaphore(%arg20 : memref<!tpu.dma_semaphore, #tpu.memory_space<semaphore_mem>>) src(%dma_wait3A_167 : memref<80x128xf32, #tpu.memory_space<vmem>>) dst(%dma_wait3A_173 : memref<10000x128xf32, #tpu.memory_space<vmem_shared>>)
    %add3A_174 = arith.constant 9920 : i32
    %add3A_175 = arith.addi %mul3A_2, %add3A_174 : i32
    %dma_wait3A_176 = arith.constant 1 : i32
    %dma_wait3A_177 = arith.constant 0 : i32
    %dma_wait3A_178 = arith.constant 0 : i32
    %dma_wait3A_179 = tpu.memref_slice %arg8[%dma_wait3A_176, %dma_wait3A_177, %dma_wait3A_178] : memref<3x80x128xf32, #tpu.memory_space<vmem>> -> memref<1x80x128xf32, #tpu.memory_space<vmem>>
    %dma_wait3A_180 = tpu.memref_squeeze %dma_wait3A_179 : memref<1x80x128xf32, #tpu.memory_space<vmem>> -> memref<80x128xf32, #tpu.memory_space<vmem>>
    %dma_wait3A_181 = arith.constant 0 : i32
    %dma_wait3A_182 = tpu.memref_slice %arg2[%add3A_175, %dma_wait3A_181] : memref<320000x128xf32, #tpu.memory_space<hbm>> -> memref<80x128xf32, #tpu.memory_space<hbm>>
    %dma_wait3A_183 = arith.constant 0 : i32
    %dma_wait3A_184 = arith.constant 0 : i32
    %dma_wait3A_185 = tpu.memref_slice %arg8[%dma_wait3A_176, %dma_wait3A_183, %dma_wait3A_184] : memref<3x80x128xf32, #tpu.memory_space<vmem>> -> memref<1x80x128xf32, #tpu.memory_space<vmem>>
    %dma_wait3A_186 = tpu.memref_squeeze %dma_wait3A_185 : memref<1x80x128xf32, #tpu.memory_space<vmem>> -> memref<80x128xf32, #tpu.memory_space<vmem>>
    %dma_wait3A_187 = arith.constant 0 : i32
    %dma_wait3A_188 = tpu.memref_slice %arg2[%add3A_175, %dma_wait3A_187] : memref<320000x128xf32, #tpu.memory_space<hbm>> -> memref<80x128xf32, #tpu.memory_space<hbm>>
    tpu.wait_dma2 semaphore(%arg13 : memref<!tpu.dma_semaphore, #tpu.memory_space<semaphore_mem>>) src(%dma_wait3A_188 : memref<80x128xf32, #tpu.memory_space<hbm>>) dst(%dma_wait3A_186 : memref<80x128xf32, #tpu.memory_space<vmem>>)
    %add3A_189 = arith.constant 9920 : i32
    %add3A_190 = arith.addi %mul3A_2, %add3A_189 : i32
    %dma_wait3A_191 = arith.constant 1 : i32
    %dma_wait3A_192 = arith.constant 0 : i32
    %dma_wait3A_193 = arith.constant 0 : i32
    %dma_wait3A_194 = tpu.memref_slice %arg9[%dma_wait3A_191, %dma_wait3A_192, %dma_wait3A_193] : memref<3x1x80xi32, #tpu.memory_space<vmem>> -> memref<1x1x80xi32, #tpu.memory_space<vmem>>
    %dma_wait3A_195 = tpu.memref_squeeze %dma_wait3A_194 : memref<1x1x80xi32, #tpu.memory_space<vmem>> -> memref<80xi32, #tpu.memory_space<vmem>>
    %dma_wait3A_196 = tpu.memref_slice %arg3[%add3A_190] : memref<320000xi32, #tpu.memory_space<hbm>> -> memref<80xi32, #tpu.memory_space<hbm>>
    %dma_wait3A_197 = arith.constant 0 : i32
    %dma_wait3A_198 = tpu.memref_slice %arg9[%dma_wait3A_191, %dma_wait3A_192, %dma_wait3A_197] : memref<3x1x80xi32, #tpu.memory_space<vmem>> -> memref<1x1x80xi32, #tpu.memory_space<vmem>>
    %dma_wait3A_199 = tpu.memref_squeeze %dma_wait3A_198 : memref<1x1x80xi32, #tpu.memory_space<vmem>> -> memref<80xi32, #tpu.memory_space<vmem>>
    %dma_wait3A_200 = tpu.memref_slice %arg3[%add3A_190] : memref<320000xi32, #tpu.memory_space<hbm>> -> memref<80xi32, #tpu.memory_space<hbm>>
    tpu.wait_dma2 semaphore(%arg16 : memref<!tpu.dma_semaphore, #tpu.memory_space<semaphore_mem>>) src(%dma_wait3A_200 : memref<80xi32, #tpu.memory_space<hbm>>) dst(%dma_wait3A_199 : memref<80xi32, #tpu.memory_space<vmem>>)
    %dma_start3A_201 = arith.constant 1 : i32
    %dma_start3A_202 = arith.constant 1 : i32
    %dma_start3A_203 = arith.constant 0 : i32
    %dma_start3A_204 = arith.constant 0 : i32
    %dma_start3A_205 = arith.constant 0 : i32
    %dma_start3A_206 = tpu.memref_slice %arg8[%dma_start3A_201, %dma_start3A_204, %dma_start3A_205] : memref<3x80x128xf32, #tpu.memory_space<vmem>> -> memref<1x80x128xf32, #tpu.memory_space<vmem>>
    %dma_start3A_207 = tpu.memref_squeeze %dma_start3A_206 : memref<1x80x128xf32, #tpu.memory_space<vmem>> -> memref<80x128xf32, #tpu.memory_space<vmem>>
    %dma_start3A_208 = arith.constant 0 : i32
    %dma_start3A_209 = tpu.memref_slice %arg9[%dma_start3A_202, %dma_start3A_203, %dma_start3A_208] : memref<3x1x80xi32, #tpu.memory_space<vmem>> -> memref<1x1x80xi32, #tpu.memory_space<vmem>>
    %dma_start3A_210 = tpu.memref_squeeze %dma_start3A_209 : memref<1x1x80xi32, #tpu.memory_space<vmem>> -> memref<80xi32, #tpu.memory_space<vmem>>
    %dma_start3A_211 = arith.constant 0 : i32
    %dma_start3A_212 = arith.constant 0 : i32
    %dma_start3A_213 = tpu.memref_slice %arg6[%dma_start3A_211, %dma_start3A_212] : memref<10000x128xf32, #tpu.memory_space<vmem_shared>> -> memref<10000x128xf32, #tpu.memory_space<vmem_shared>>
    tpu.enqueue_indirect_dma source(%dma_start3A_207 : memref<80x128xf32, #tpu.memory_space<vmem>>) target(%dma_start3A_213 : memref<10000x128xf32, #tpu.memory_space<vmem_shared>>) offsets(%dma_start3A_210 : memref<80xi32, #tpu.memory_space<vmem>>) semaphore(%arg19 : memref<!tpu.dma_semaphore, #tpu.memory_space<semaphore_mem>>) {add = true}
    %dma_start3A_214 = arith.constant 1 : i32
    %dma_start3A_215 = arith.constant 0 : i32
    %dma_start3A_216 = arith.constant 0 : i32
    %dma_start3A_217 = tpu.memref_slice %arg9[%dma_start3A_214, %dma_start3A_215, %dma_start3A_216] : memref<3x1x80xi32, #tpu.memory_space<vmem>> -> memref<1x1x80xi32, #tpu.memory_space<vmem>>
    %dma_start3A_218 = tpu.memref_squeeze %dma_start3A_217 : memref<1x1x80xi32, #tpu.memory_space<vmem>> -> memref<80xi32, #tpu.memory_space<vmem>>
    %dma_start3A_219 = arith.constant 0 : i32
    %dma_start3A_220 = arith.constant 0 : i32
    %dma_start3A_221 = tpu.memref_slice %arg7[%dma_start3A_219, %dma_start3A_220] : memref<10000x16xf32, #tpu.memory_space<vmem_shared>> -> memref<10000x16xf32, #tpu.memory_space<vmem_shared>>
    tpu.enqueue_indirect_dma source(%arg10 : memref<80x16xf32, #tpu.memory_space<vmem>>) target(%dma_start3A_221 : memref<10000x16xf32, #tpu.memory_space<vmem_shared>>) offsets(%dma_start3A_218 : memref<80xi32, #tpu.memory_space<vmem>>) semaphore(%arg21 : memref<!tpu.dma_semaphore, #tpu.memory_space<semaphore_mem>>) {add = true}
    %dma_wait3A_222 = arith.constant 1 : i32
    %dma_wait3A_223 = arith.constant 0 : i32
    %dma_wait3A_224 = arith.constant 0 : i32
    %dma_wait3A_225 = tpu.memref_slice %arg9[%dma_wait3A_222, %dma_wait3A_223, %dma_wait3A_224] : memref<3x1x80xi32, #tpu.memory_space<vmem>> -> memref<1x1x80xi32, #tpu.memory_space<vmem>>
    %dma_wait3A_226 = tpu.memref_squeeze %dma_wait3A_225 : memref<1x1x80xi32, #tpu.memory_space<vmem>> -> memref<80xi32, #tpu.memory_space<vmem>>
    %dma_wait3A_227 = arith.constant 0 : i32
    %dma_wait3A_228 = arith.constant 0 : i32
    %dma_wait3A_229 = tpu.memref_slice %arg7[%dma_wait3A_227, %dma_wait3A_228] : memref<10000x16xf32, #tpu.memory_space<vmem_shared>> -> memref<10000x16xf32, #tpu.memory_space<vmem_shared>>
    tpu.wait_indirect_dma semaphore(%arg21 : memref<!tpu.dma_semaphore, #tpu.memory_space<semaphore_mem>>) src(%arg10 : memref<80x16xf32, #tpu.memory_space<vmem>>) dst(%dma_wait3A_229 : memref<10000x16xf32, #tpu.memory_space<vmem_shared>>)
    %dma_wait3A_230 = arith.constant 0 : i32
    %dma_wait3A_231 = arith.constant 0 : i32
    %dma_wait3A_232 = arith.constant 0 : i32
    %dma_wait3A_233 = arith.constant 0 : i32
    %dma_wait3A_234 = arith.constant 0 : i32
    %dma_wait3A_235 = tpu.memref_slice %arg8[%dma_wait3A_230, %dma_wait3A_233, %dma_wait3A_234] : memref<3x80x128xf32, #tpu.memory_space<vmem>> -> memref<1x80x128xf32, #tpu.memory_space<vmem>>
    %dma_wait3A_236 = tpu.memref_squeeze %dma_wait3A_235 : memref<1x80x128xf32, #tpu.memory_space<vmem>> -> memref<80x128xf32, #tpu.memory_space<vmem>>
    %dma_wait3A_237 = arith.constant 0 : i32
    %dma_wait3A_238 = tpu.memref_slice %arg9[%dma_wait3A_231, %dma_wait3A_232, %dma_wait3A_237] : memref<3x1x80xi32, #tpu.memory_space<vmem>> -> memref<1x1x80xi32, #tpu.memory_space<vmem>>
    %dma_wait3A_239 = tpu.memref_squeeze %dma_wait3A_238 : memref<1x1x80xi32, #tpu.memory_space<vmem>> -> memref<80xi32, #tpu.memory_space<vmem>>
    %dma_wait3A_240 = arith.constant 0 : i32
    %dma_wait3A_241 = arith.constant 0 : i32
    %dma_wait3A_242 = tpu.memref_slice %arg6[%dma_wait3A_240, %dma_wait3A_241] : memref<10000x128xf32, #tpu.memory_space<vmem_shared>> -> memref<10000x128xf32, #tpu.memory_space<vmem_shared>>
    tpu.wait_indirect_dma semaphore(%arg18 : memref<!tpu.dma_semaphore, #tpu.memory_space<semaphore_mem>>) src(%dma_wait3A_236 : memref<80x128xf32, #tpu.memory_space<vmem>>) dst(%dma_wait3A_242 : memref<10000x128xf32, #tpu.memory_space<vmem_shared>>)
    %dma_wait3A_243 = arith.constant 1 : i32
    %dma_wait3A_244 = arith.constant 1 : i32
    %dma_wait3A_245 = arith.constant 0 : i32
    %dma_wait3A_246 = arith.constant 0 : i32
    %dma_wait3A_247 = arith.constant 0 : i32
    %dma_wait3A_248 = tpu.memref_slice %arg8[%dma_wait3A_243, %dma_wait3A_246, %dma_wait3A_247] : memref<3x80x128xf32, #tpu.memory_space<vmem>> -> memref<1x80x128xf32, #tpu.memory_space<vmem>>
    %dma_wait3A_249 = tpu.memref_squeeze %dma_wait3A_248 : memref<1x80x128xf32, #tpu.memory_space<vmem>> -> memref<80x128xf32, #tpu.memory_space<vmem>>
    %dma_wait3A_250 = arith.constant 0 : i32
    %dma_wait3A_251 = tpu.memref_slice %arg9[%dma_wait3A_244, %dma_wait3A_245, %dma_wait3A_250] : memref<3x1x80xi32, #tpu.memory_space<vmem>> -> memref<1x1x80xi32, #tpu.memory_space<vmem>>
    %dma_wait3A_252 = tpu.memref_squeeze %dma_wait3A_251 : memref<1x1x80xi32, #tpu.memory_space<vmem>> -> memref<80xi32, #tpu.memory_space<vmem>>
    %dma_wait3A_253 = arith.constant 0 : i32
    %dma_wait3A_254 = arith.constant 0 : i32
    %dma_wait3A_255 = tpu.memref_slice %arg6[%dma_wait3A_253, %dma_wait3A_254] : memref<10000x128xf32, #tpu.memory_space<vmem_shared>> -> memref<10000x128xf32, #tpu.memory_space<vmem_shared>>
    tpu.wait_indirect_dma semaphore(%arg19 : memref<!tpu.dma_semaphore, #tpu.memory_space<semaphore_mem>>) src(%dma_wait3A_249 : memref<80x128xf32, #tpu.memory_space<vmem>>) dst(%dma_wait3A_255 : memref<10000x128xf32, #tpu.memory_space<vmem_shared>>)
    %dma_wait3A_256 = arith.constant 0 : i32
    %dma_wait3A_257 = arith.constant 0 : i32
    %dma_wait3A_258 = arith.constant 0 : i32
    %dma_wait3A_259 = tpu.memref_slice %arg9[%dma_wait3A_256, %dma_wait3A_257, %dma_wait3A_258] : memref<3x1x80xi32, #tpu.memory_space<vmem>> -> memref<1x1x80xi32, #tpu.memory_space<vmem>>
    %dma_wait3A_260 = tpu.memref_squeeze %dma_wait3A_259 : memref<1x1x80xi32, #tpu.memory_space<vmem>> -> memref<80xi32, #tpu.memory_space<vmem>>
    %dma_wait3A_261 = arith.constant 0 : i32
    %dma_wait3A_262 = arith.constant 0 : i32
    %dma_wait3A_263 = tpu.memref_slice %arg7[%dma_wait3A_261, %dma_wait3A_262] : memref<10000x16xf32, #tpu.memory_space<vmem_shared>> -> memref<10000x16xf32, #tpu.memory_space<vmem_shared>>
    tpu.wait_indirect_dma semaphore(%arg21 : memref<!tpu.dma_semaphore, #tpu.memory_space<semaphore_mem>>) src(%arg10 : memref<80x16xf32, #tpu.memory_space<vmem>>) dst(%dma_wait3A_263 : memref<10000x16xf32, #tpu.memory_space<vmem_shared>>)
    %barrier3A_264 = arith.constant 0 : index
    tpu.barrier barrier_id(%barrier3A_264)
    %mul3A_265 = arith.constant 625 : i32
    %mul3A_266 = arith.muli %arg1, %mul3A_265 : i32
    %mul3A_267 = arith.constant 625 : i32
    %mul3A_268 = arith.muli %arg1, %mul3A_267 : i32
    "tpu.region"() ({
      %run_scoped3A_273 = tpu.sem_alloc : memref<!tpu.dma_semaphore, #tpu.memory_space<semaphore_mem>>
      %dma_start3A_274 = arith.constant 0 : i32
      %dma_start3A_275 = tpu.memref_slice %arg4[%arg0, %mul3A_268, %dma_start3A_274] : memref<2x10000x128xf32, #tpu.memory_space<hbm>> -> memref<1x625x128xf32, #tpu.memory_space<hbm>>
      %dma_start3A_276 = tpu.memref_squeeze %dma_start3A_275 : memref<1x625x128xf32, #tpu.memory_space<hbm>> -> memref<625x128xf32, #tpu.memory_space<hbm>>
      %dma_start3A_277 = arith.constant 0 : i32
      %dma_start3A_278 = tpu.memref_slice %arg6[%mul3A_266, %dma_start3A_277] : memref<10000x128xf32, #tpu.memory_space<vmem_shared>> -> memref<625x128xf32, #tpu.memory_space<vmem_shared>>
      tpu.enqueue_dma source(%dma_start3A_278 : memref<625x128xf32, #tpu.memory_space<vmem_shared>>) target(%dma_start3A_276 : memref<625x128xf32, #tpu.memory_space<hbm>>) target_semaphore(%run_scoped3A_273 : memref<!tpu.dma_semaphore, #tpu.memory_space<semaphore_mem>>)
      %dma_wait3A_279 = arith.constant 0 : i32
      %dma_wait3A_280 = tpu.memref_slice %arg4[%arg0, %mul3A_268, %dma_wait3A_279] : memref<2x10000x128xf32, #tpu.memory_space<hbm>> -> memref<1x625x128xf32, #tpu.memory_space<hbm>>
      %dma_wait3A_281 = tpu.memref_squeeze %dma_wait3A_280 : memref<1x625x128xf32, #tpu.memory_space<hbm>> -> memref<625x128xf32, #tpu.memory_space<hbm>>
      %dma_wait3A_282 = arith.constant 0 : i32
      %dma_wait3A_283 = tpu.memref_slice %arg6[%mul3A_266, %dma_wait3A_282] : memref<10000x128xf32, #tpu.memory_space<vmem_shared>> -> memref<625x128xf32, #tpu.memory_space<vmem_shared>>
      tpu.wait_dma2 semaphore(%run_scoped3A_273 : memref<!tpu.dma_semaphore, #tpu.memory_space<semaphore_mem>>) src(%dma_wait3A_283 : memref<625x128xf32, #tpu.memory_space<vmem_shared>>) dst(%dma_wait3A_281 : memref<625x128xf32, #tpu.memory_space<hbm>>)
      tpu.yield
    }) : () -> ()
    %mul3A_269 = arith.constant 625 : i32
    %mul3A_270 = arith.muli %arg1, %mul3A_269 : i32
    %mul3A_271 = arith.constant 625 : i32
    %mul3A_272 = arith.muli %arg1, %mul3A_271 : i32
    "tpu.region"() ({
      %run_scoped3A_273 = tpu.sem_alloc : memref<!tpu.dma_semaphore, #tpu.memory_space<semaphore_mem>>
      %dma_start3A_274 = arith.constant 0 : i32
      %dma_start3A_275 = tpu.memref_slice %arg5[%arg0, %mul3A_272, %dma_start3A_274] : memref<2x10000x16xf32, #tpu.memory_space<hbm>> -> memref<1x625x16xf32, #tpu.memory_space<hbm>>
      %dma_start3A_276 = tpu.memref_squeeze %dma_start3A_275 : memref<1x625x16xf32, #tpu.memory_space<hbm>> -> memref<625x16xf32, #tpu.memory_space<hbm>>
      %dma_start3A_277 = arith.constant 0 : i32
      %dma_start3A_278 = tpu.memref_slice %arg7[%mul3A_270, %dma_start3A_277] : memref<10000x16xf32, #tpu.memory_space<vmem_shared>> -> memref<625x16xf32, #tpu.memory_space<vmem_shared>>
      tpu.enqueue_dma source(%dma_start3A_278 : memref<625x16xf32, #tpu.memory_space<vmem_shared>>) target(%dma_start3A_276 : memref<625x16xf32, #tpu.memory_space<hbm>>) target_semaphore(%run_scoped3A_273 : memref<!tpu.dma_semaphore, #tpu.memory_space<semaphore_mem>>)
      %dma_wait3A_279 = arith.constant 0 : i32
      %dma_wait3A_280 = tpu.memref_slice %arg5[%arg0, %mul3A_272, %dma_wait3A_279] : memref<2x10000x16xf32, #tpu.memory_space<hbm>> -> memref<1x625x16xf32, #tpu.memory_space<hbm>>
      %dma_wait3A_281 = tpu.memref_squeeze %dma_wait3A_280 : memref<1x625x16xf32, #tpu.memory_space<hbm>> -> memref<625x16xf32, #tpu.memory_space<hbm>>
      %dma_wait3A_282 = arith.constant 0 : i32
      %dma_wait3A_283 = tpu.memref_slice %arg7[%mul3A_270, %dma_wait3A_282] : memref<10000x16xf32, #tpu.memory_space<vmem_shared>> -> memref<625x16xf32, #tpu.memory_space<vmem_shared>>
      tpu.wait_dma2 semaphore(%run_scoped3A_273 : memref<!tpu.dma_semaphore, #tpu.memory_space<semaphore_mem>>) src(%dma_wait3A_283 : memref<625x16xf32, #tpu.memory_space<vmem_shared>>) dst(%dma_wait3A_281 : memref<625x16xf32, #tpu.memory_space<hbm>>)
      tpu.yield
    }) : () -> ()
    return
  }
}

module attributes {stable_mosaic.version = 14 : i64} {
  func.func @_div_body(%arg0: i32, %arg1: memref<2x5000x128xf32, #tpu.memory_space<vmem>>, %arg2: memref<2x5000x16xf32, #tpu.memory_space<vmem>>, %arg3: memref<5000x128xf32, #tpu.memory_space<vmem>>) attributes {dimension_semantics = [#tpu.dimension_semantics<arbitrary>], iteration_bounds = array<i64: 2>, scalar_prefetch = 0 : i64, scratch_operands = 0 : i64, tpu.core_type = #tpu.core_type<tc>, window_params = [{transform_indices = @transform_0, window_bounds = array<i64: 2, 5000, 128>}, {transform_indices = @transform_1, window_bounds = array<i64: 2, 5000, 16>}, {transform_indices = @transform_2, window_bounds = array<i64: 5000, 128>}]} {
    %get3A = arith.constant 0 : index
    %get3A_0 = arith.constant 0 : index
    %get3A_1 = arith.constant 0 : index
    %get3A_2 = vector.load %arg1[%get3A, %get3A_0, %get3A_1] : memref<2x5000x128xf32, #tpu.memory_space<vmem>>, vector<1x5000x128xf32>
    %get3A_3 = vector.shape_cast %get3A_2 : vector<1x5000x128xf32> to vector<5000x128xf32>
    %get3A_4 = arith.constant 1 : index
    %get3A_5 = arith.constant 0 : index
    %get3A_6 = arith.constant 0 : index
    %get3A_7 = vector.load %arg1[%get3A_4, %get3A_5, %get3A_6] : memref<2x5000x128xf32, #tpu.memory_space<vmem>>, vector<1x5000x128xf32>
    %get3A_8 = vector.shape_cast %get3A_7 : vector<1x5000x128xf32> to vector<5000x128xf32>
    %add3A = arith.addf %get3A_3, %get3A_8 : vector<5000x128xf32>
    %get3A_9 = arith.constant 0 : index
    %get3A_10 = arith.constant 0 : index
    %get3A_11 = arith.constant 0 : index
    %get3A_12 = vector.load %arg2[%get3A_9, %get3A_10, %get3A_11] : memref<2x5000x16xf32, #tpu.memory_space<vmem>>, vector<1x5000x1xf32>
    %get3A_13 = vector.shape_cast %get3A_12 : vector<1x5000x1xf32> to vector<5000x1xf32>
    %get3A_14 = arith.constant 1 : index
    %get3A_15 = arith.constant 0 : index
    %get3A_16 = arith.constant 0 : index
    %get3A_17 = vector.load %arg2[%get3A_14, %get3A_15, %get3A_16] : memref<2x5000x16xf32, #tpu.memory_space<vmem>>, vector<1x5000x1xf32>
    %get3A_18 = vector.shape_cast %get3A_17 : vector<1x5000x1xf32> to vector<5000x1xf32>
    %add3A_19 = arith.addf %get3A_13, %get3A_18 : vector<5000x1xf32>
    %max3A = arith.constant 1.000000e+00 : f32
    %max3A_20 = vector.broadcast %max3A : f32 to vector<5000x1xf32>
    %max3A_21 = arith.maximumf %add3A_19, %max3A_20 : vector<5000x1xf32>
    %div3A = vector.broadcast %max3A_21 : vector<5000x1xf32> to vector<5000x128xf32>
    %div3A_22 = arith.divf %add3A, %div3A : vector<5000x128xf32>
    %swap3A = arith.constant 0 : index
    %swap3A_23 = arith.constant 0 : index
    %swap3A_24 = vector.load %arg3[%swap3A, %swap3A_23] : memref<5000x128xf32, #tpu.memory_space<vmem>>, vector<5000x128xf32>
    tpu.vector_store %arg3[%swap3A, %swap3A_23], %div3A_22 {strides = array<i32>} : memref<5000x128xf32, #tpu.memory_space<vmem>>, vector<5000x128xf32>,
    return
  }
  func.func @transform_0(%arg0: i32) -> (i32, i32, i32) {
    %c0_i32 = arith.constant 0 : i32
    %c0_i32_0 = arith.constant 0 : i32
    %c0_i32_1 = arith.constant 0 : i32
    return %c0_i32, %arg0, %c0_i32_0 : i32, i32, i32
  }
  func.func @transform_1(%arg0: i32) -> (i32, i32, i32) {
    %c0_i32 = arith.constant 0 : i32
    %c0_i32_0 = arith.constant 0 : i32
    %c0_i32_1 = arith.constant 0 : i32
    return %c0_i32, %arg0, %c0_i32_0 : i32, i32, i32
  }
  func.func @transform_2(%arg0: i32) -> (i32, i32) {
    %c0_i32 = arith.constant 0 : i32
    %c0_i32_0 = arith.constant 0 : i32
    return %arg0, %c0_i32 : i32, i32
  }
}

</mosaic_0001>

<sc_bundles>
// kernel: kernel.4.cloned.1.call-start
scs
__scs_entry_jumppad:
0x0: {  	(pc) =	sbr.rel $0x88, $3  }
0x1: {  	(tag) =	ssettag $0x0;
	lr =	simm.s32 $0x1  }
0x2: {  	[smem:$0x3F9F] =	sst lr;
	_ =	strace $0xD0000000  }
0x3: {  	_ = 	snop  }
0x4: {  	_ = 	snop  }
0x5: {  	_ = 	snop  }
0x6: {  	_ = 	snop  }
0x7: {  	_ = 	snop  }
__scs_overlays_trampoline_lowered:
0x8: {  	[smem:$0x3FAE] =	sst s0  }
0x9: {  	[smem:$0x3FAF] =	sst s1  }
0xa: {  	[smem:$0x3FB0] =	sst s2  }
0xb: {  	[smem:$0x3FB1] =	sst s3  }
0xc: {  	[smem:$0x3FB2] =	sst s4  }
0xd: {  	[smem:$0x3FB3] =	sst s5  }
0xe: {  	[smem:$0x3FB4] =	sst s6  }
0xf: {  	[smem:$0x3FB5] =	sst s7  }
0x10: {  	[smem:$0x3FB6] =	sst s8  }
0x11: {  	[smem:$0x3FB7] =	sst s9;
	s0 =	simm.s32 @!p0 $0x0  }
0x12: {  	s1 =	sld [smem:$0x3F9D];
	s0 =	simm.s32 @p0 $0x1  }
0x13: {  	[smem:$0x3FB8] =	sst s0;
	s0 =	simm.s32 @!p1 $0x0  }
0x14: {  	s2 =	sld [smem:$0x3F9C];
	s0 =	simm.s32 @p1 $0x1  }
0x15: {  	[smem:$0x3FB9] =	sst s0;
	s0 =	simm.s32 @!p2 $0x0  }
0x16: {  	s3 =	sld [smem:$0x3FDB];
	s0 =	simm.s32 @p2 $0x1  }
0x17: {  	s4 =	simm.s32 $0x1BF5;
	[smem:$0x3FBB] =	sst s0  }
0x18: {  	s0 =	sld [smem:$0x3F9E];
	_ =	swait.ge [sflag:s4], $0x0  }
0x19: {  	s7 =	sld [smem:$0x3F9F]  }
0x1a: {  	s8 =	sadd.s32 $0xFFFFE003, lr  }
0x1b: {  	s9 =	sadd.s32 $0xFFFFFEF7, lr;
	s5 =	simm.s32 $0xFFFFFFFF;
	p2 =	slt.u32 s8, $0xFFFFF086  }
0x1c: {  	p1 =	slt.u32 s9, $0xF7A;
	s5 =	simm.s32 @!p2 $0x0  }
0x1d: {  	s5 =	simm.s32 @p1 $0x1;
	p0 =	seq.s32 s7, s2  }
0x1e: {  	s7 =	smul.u32 @!p0 $0xF7A, s2;
	p2 =	seq.s32 @!p0 s5, $0x0  }
0x1f: {  	s9 =	smul.u32 $0xF7A, s1;
	s8 =	simm.s32 @!p0 $0x1BF5;
	p2 =	por !p2, p0  }
0x20: {  	[sflag:s8] =	ssyncset.s32 @!p0 $0xFFFFF086;
	s6 =	sadd.s32 @!p0 s3, s7;
	s7 =	simm.s32 @!p0 $0x108  }
0x21: {  	s3 =	sadd.s32 s3, s9;
	s6 =	sadd.s32 @!p0 $0x88, s6;
	s7 =	simm.s32 @p2 $0x1082  }
0x22: {  	[simem:s7], [sflag:s8] =	dma.local @!p0 [hbm:s6], $0xF7A  }
0x23: {  	s9 =	sor.u32 $0xD0000000, s2;
	s6 =	simm.s32 $0x108;
	_ =	swait.ge @!p0 [sflag:s8], $0x0  }
0x24: {  	s3 =	sadd.s32 $0x88, s3;
	s6 =	simm.s32 @!p1 $0x1082;
	[sflag:s4] =	ssyncset.s32 $0xFFFFF086  }
0x25: {  	[simem:s6], [sflag:s4] =	dma.local [hbm:s3], $0xF7A  }
0x26: {  	[smem:$0x3F9F] =	sst s1;
	(tag) =	ssettag s2;
	_ =	strace s9  }
0x27: {  	s1 =	sld [smem:$0x3FAF]  }
0x28: {  	s2 =	sld [smem:$0x3FB0]  }
0x29: {  	s4 =	sld [smem:$0x3FB2]  }
0x2a: {  	p0 =	seq.s32 s5, $0x0;
	s5 =	sld [smem:$0x3FB3]  }
0x2b: {  	s6 =	sld [smem:$0x3FB4]  }
0x2c: {  	s7 =	sld [smem:$0x3FB5]  }
0x2d: {  	s3 =	simm.s32 $0x108;
	s8 =	sld [smem:$0x3FB6]  }
0x2e: {  	s3 =	simm.s32 @!p0 $0x1082;
	s9 =	sld [smem:$0x3FB7]  }
0x2f: {  	lr =	sadd.s32 s0, s3;
	s0 =	sld [smem:$0x3FAE]  }
0x30: {  	s3 =	sld [smem:$0x3FB1]  }
0x31: {  	[smem:$0x3FBA] =	sst s10  }
0x32: {  	s10 =	sld [smem:$0x3FB8];
	_ =	sdelay $0x3  }
0x33: {  	p0 =	seq.s32 s10, $0x1;
	s10 =	sld [smem:$0x3FBA];
	_ =	sdelay $0x3  }
0x34: {  	[smem:$0x3FBA] =	sst s10  }
0x35: {  	s10 =	sld [smem:$0x3FB9];
	_ =	sdelay $0x3  }
0x36: {  	p1 =	seq.s32 s10, $0x1;
	s10 =	sld [smem:$0x3FBA];
	_ =	sdelay $0x3  }
0x37: {  	[smem:$0x3FBA] =	sst s10  }
0x38: {  	s10 =	sld [smem:$0x3FBB]  }
0x39: {  	_ = 	snop;
	(pc) =	sbr.ind lr, $3  }
0x3a: {  	_ = 	snop  }
0x3b: {  	_ = 	snop  }
0x3c: {  	p2 =	seq.s32 s10, $0x1;
	s10 =	sld [smem:$0x3FBA]  }
0x3d: {  	_ =	shalt  }
0x3e: {  	_ =	shalt  }
0x3f: {  	_ =	shalt  }
0x40: {  	_ =	shalt  }
0x41: {  	_ =	shalt  }
0x42: {  	_ =	shalt  }
0x43: {  	_ =	shalt  }
0x44: {  	_ =	shalt  }
0x45: {  	_ =	shalt  }
0x46: {  	_ =	shalt  }
0x47: {  	_ =	shalt  }
0x48: {  	_ =	shalt  }
0x49: {  	_ =	shalt  }
0x4a: {  	_ =	shalt  }
0x4b: {  	_ =	shalt  }
0x4c: {  	_ =	shalt  }
0x4d: {  	_ =	shalt  }
0x4e: {  	_ =	shalt  }
0x4f: {  	_ =	shalt  }
0x50: {  	_ =	shalt  }
0x51: {  	_ =	shalt  }
0x52: {  	_ =	shalt  }
0x53: {  	_ =	shalt  }
0x54: {  	_ =	shalt  }
0x55: {  	_ =	shalt  }
0x56: {  	_ =	shalt  }
0x57: {  	_ =	shalt  }
0x58: {  	_ =	shalt  }
0x59: {  	_ =	shalt  }
0x5a: {  	_ =	shalt  }
0x5b: {  	_ =	shalt  }
0x5c: {  	_ =	shalt  }
0x5d: {  	_ =	shalt  }
0x5e: {  	_ =	shalt  }
0x5f: {  	_ =	shalt  }
0x60: {  	_ =	shalt  }
0x61: {  	_ =	shalt  }
0x62: {  	_ =	shalt  }
0x63: {  	_ =	shalt  }
0x64: {  	_ =	shalt  }
0x65: {  	_ =	shalt  }
0x66: {  	_ =	shalt  }
0x67: {  	_ =	shalt  }
0x68: {  	_ =	shalt  }
0x69: {  	_ =	shalt  }
0x6a: {  	_ =	shalt  }
0x6b: {  	_ =	shalt  }
0x6c: {  	_ =	shalt  }
0x6d: {  	_ =	shalt  }
0x6e: {  	_ =	shalt  }
0x6f: {  	_ =	shalt  }
0x70: {  	_ =	shalt  }
0x71: {  	_ =	shalt  }
0x72: {  	_ =	shalt  }
0x73: {  	_ =	shalt  }
0x74: {  	_ =	shalt  }
0x75: {  	_ =	shalt  }
0x76: {  	_ =	shalt  }
0x77: {  	_ =	shalt  }
0x78: {  	_ =	shalt  }
0x79: {  	_ =	shalt  }
0x7a: {  	_ =	shalt  }
0x7b: {  	_ =	shalt  }
0x7c: {  	_ =	shalt  }
0x7d: {  	_ =	shalt  }
0x7e: {  	_ =	shalt  }
0x7f: {  	_ =	shalt  }
0x80: {  	_ =	shalt  }
0x81: {  	_ =	shalt  }
0x82: {  	_ =	shalt  }
0x83: {  	_ =	shalt  }
0x84: {  	_ =	shalt  }
0x85: {  	_ =	shalt  }
0x86: {  	_ =	shalt  }
0x87: {  	_ =	shalt  }
.Lfunc_end0:
.L_simem_size_0:
called_computation_lowered:
.L_overlay_start_0:
0x88: {  	s2 =	sld [smem:$0x3FD9]  }
0x89: {  	s3 =	sld [smem:$0x3FFE];
	_ =	sdelay $0x1  }
0x8a: {  	s1 =	srdreg.scid  }
0x8b: {  	s0 =	sand.u32 $0x1, s1  }
0x8c: {  	s17 =	sshll.u32 s0, $0xA;
	s2 =	sadd.s32 s3, s2  }
0x8d: {  	s2 =	sadd.s32 s2, s17  }
0x8e: {  	[smem:$0x3FC6] =	sst s2  }
0x8f: {  	_ = 	snop  }
0x90: {  	s2 =	sld [smem:$0x3FC9]  }
0x91: {  	s18 =	sld [smem:$0x3FC8]  }
0x92: {  	s4 =	sld [smem:$0x3FD0];
	(tm) =	ssettm $0x1  }
0x93: {  	s5 =	sld [smem:$0x3FFB];
	_ =	sdelay $0x3  }
0x94: {  	_ =	strace s5  }
0x95: {  	s5 =	sld [smem:$0x3FFC];
	_ =	sdelay $0x3  }
0x96: {  	_ =	strace s5  }
0x97: {  	s5 =	sld [smem:$0x3FFD];
	_ =	sdelay $0x3  }
0x98: {  	_ =	strace s5  }
0x99: {  	_ =	strace $0x8FFFFFFF  }
0x9a: {  	s19 =	sld [smem:$0x3FDB];
	_ =	sdelay $0x1  }
0x9b: {  	s6 =	simm.s32 $_scs_section_size  }
0x9c: {  	s7 =	simm.s32 $_size__tile_overlayer_lowered;
	s8 =	simm.s32 $_tile_overlayer_lowered  }
0x9d: {  	s22 =	simm.s32 $0x1BFF;
	s21 =	sshll.u32 s8, $0x1;
	s5 =	sadd.s32 s6, s19  }
0x9e: {  	s9 =	simm.s32 $0x0;
	s20 =	sshll.u32 s7, $0x1;
	s7 =	sadd.s32 s21, s5  }
0x9f: {  	[timem:s9], [sflag:s22] =	dma.local [hbm:s7], s20  }
0xa0: {  	_ =	swait.ge [sflag:s22], s20  }
0xa1: {  	s6 =	ssub.s32 $0x0, s20;
	[sflag:s22] =	ssyncset.done $0x0  }
0xa2: {  	[sflag:s22] =	ssyncadd.s32 s6;
	_ =	sdelay $0x1  }
0xa3: {  	s23 =	simm.s32 $0x1B8B  }
0xa4: {  	_ =	swait.ge [sflag:s23], $0x1  }
0xa5: {  	[sflag:s23] =	ssyncset.done $0x0  }
0xa6: {  	s25 =	simm.s32 $0x1B8E;
	s24 =	sld [smem:$0x3FFE];
	[sflag:s23] =	ssyncadd.s32 $0xFFFFFFFF  }
0xa7: {  	s26 =	simm.s32 $execute0_lowered;
	[smem:$0x3FD2] =	sst s25  }
0xa8: {  	s7 =	sshll.u32 s26, $0x1;
	_ =	strace $0x80000046;
	[dreg:$0x1] =	wrdreg $0xFFFFFFFF  }
0xa9: {  	s28 =	simm.s32 $_size_execute0_lowered;
	s5 =	sadd.s32 s5, s7;
	[dreg:$0x0] =	wrdreg $0x0  }
0xaa: {  	s7 =	sshll.u32 s28, $0x1;
	[dreg:$0x2] =	wrdreg s5  }
0xab: {  	[dreg:$0x3] =	wrdreg s7  }
0xac: {  	[dreg:$0x4] =	wrdreg $0xC0  }
0xad: {  	_ =	task [dreg:s9], $0x5FFFF  }
0xae: {  	[dreg:$0x1] =	wrdreg $0xFFFFFFFF  }
0xaf: {  	[dreg:$0x0] =	wrdreg $0x60  }
0xb0: {  	[dreg:$0x2] =	wrdreg s2  }
0xb1: {  	[dreg:$0x3] =	wrdreg s18  }
0xb2: {  	[dreg:$0x4] =	wrdreg s24  }
0xb3: {  	[dreg:$0x5] =	wrdreg s4  }
0xb4: {  	[dreg:$0x6] =	wrdreg $0x0  }
0xb5: {  	[dreg:$0x7] =	wrdreg $0x138800  }
0xb6: {  	[dreg:$0x8] =	wrdreg $0x9  }
0xb7: {  	_ =	task.clear_ibuf [dreg:s9], $0x9FFFF;
	_ =	strace $0x90000046  }
0xb8: {  	s29 =	simm.s32 $0x9;
	_ =	strace $0x80000048  }
0xb9: {  	_ =	swait.ge [sflag:s29], $0x1  }
0xba: {  	[sflag:s29] =	ssyncadd.s32 $0xFFFFFFFF  }
0xbb: {  	_ =	strace $0x90000048  }
0xbc: {  	_ =	sfence  }
0xbd: {  	s30 =	sld [smem:$0x0];
	_ =	sdelay $0x2  }
0xbe: {  	s31 =	sshll.u32 s1, $0xD;
	s1 =	sshrl.u32 s1, $0x2  }
0xbf: {  	s3 =	sand.u32 $0x4000, s31;
	s1 =	sadd.s32 s1, s30  }
0xc0: {  	s0 =	sor.u32 s3, s0;
	s1 =	sshll.u32 s1, $0x11  }
0xc1: {  	s0 =	sor.u32 s1, s0  }
0xc2: {  	s0 =	sadd.s32 $0x8F2B, s0  }
0xc3: {  	[sflag:s0] =	ssyncadd.remote.s32 $0x1  }
0xc4: {  	_ =	sfence.sel $0xFFFF  }
0xc5: {  	[dreg:$0x0] =	wrdreg $0xFFFFFFFF;
	(pc) =	sbr.abs _section_cstart, $3  }
0xc6: {  	[dreg:$0x1] =	wrdreg $0xFFFFFFFF  }
0xc7: {  	_ =	task.clear_ibuf [dreg:s9], $0x2FFFF;
	_ =	strace $0x9FFFFFFF  }
0xc8: {  	(tm) =	ssettm $0x7FFFFFFF  }
0xc9: {  	_ =	shalt  }
tec
execute0_lowered:
.L_overlay_start_1:
0x0: {  	(tag) =	ssettag $0x1  }
0x1: {  	s6 =	rddreg [dreg:$0x0]  }
0x2: {  	s0 =	rddreg [dreg:$0x1]  }
0x3: {  	s1 =	rddreg [dreg:$0x2]  }
0x4: {  	s7 =	rddreg [dreg:$0x3]  }
0x5: {  	s3 =	rddreg [dreg:$0x4]  }
0x6: {  	s4 =	rddreg [dreg:$0x5];
	s14 =	stileid.u32  }
0x7: {  	s2 =	srdreg.scid;
	s9 =	smul.u32 $0x13880, s14  }
0x8: {  	s5 =	simm.s32 $0x0;
	s8 =	sand.u32 $0x1, s2;
	s13 =	smul.u32 $0x271, s14  }
0x9: {  	s29 =	simm.s32 $0x0;
	[smem:$0x7FF] =	sst s5;
	s2 =	smul.u32 $0x138800, s8  }
0xa: {  	s10 =	sshll.u32 s8, $0x4;
	_ =	strace $0x80000047;
	s12 =	ssub.s32 $0x2, s8  }
0xb: {  	s8 =	smul.u32 $0x27100, s8;
	s10 =	sor.u32 s14, s10;
	s26 =	sshrl.u32 s12, $0x1  }
0xc: {  	s14 =	smul.u32 $0x2710, s14;
	s15 =	sadd.s32 $0x50, s13;
	s30 =	sadd.s32 s9, s3  }
0xd: {  	s17 =	sadd.s32 $0xA0, s13;
	s21 =	sadd.s32 $0xF0, s13;
	s11 =	smul.u32 $0x2710, s10  }
0xe: {  	s2 =	sadd.s32 s9, s2;
	s10 =	smul.u32 $0x27100, s10;
	s16 =	sshll.u32 s15, $0x7  }
0xf: {  	s19 =	sshll.u32 s17, $0x7;
	s20 =	sshll.u32 s17, $0x4;
	[dreg:$0xc] =	wrdreg s30  }
0x10: {  	s2 =	sshrl.u32 s2, $0x3;
	s31 =	sadd.s32 s14, s4;
	s9 =	sadd.s32 s16, s3  }
0x11: {  	s8 =	sadd.s32 s14, s8;
	s1 =	sadd.s32 s2, s1;
	s2 =	ssub.s32 s12, s26  }
0x12: {  	s28 =	sshrl.u32 s11, $0x3;
	s10 =	sadd.s32 s6, s10;
	[dreg:$0xe] =	wrdreg s9  }
0x13: {  	s9 =	sadd.s32 s19, s3;
	s11 =	sadd.s32 $0x50, s11;
	[dreg:$0xd] =	wrdreg s31  }
0x14: {  	s14 =	sshrl.u32 s8, $0x3;
	s16 =	sadd.s32 $0xF0, s8;
	[dreg:$0xa] =	wrdreg s10  }
0x15: {  	s12 =	sadd.s32 s0, s28;
	s10 =	sshll.u32 s15, $0x4;
	[dreg:$0x10] =	wrdreg s9  }
0x16: {  	s7 =	sadd.s32 s7, s14;
	[dreg:$0x11] =	wrdreg s16;
	s23 =	sshll.u32 s16, $0x4  }
0x17: {  	s25 =	sshll.u32 s11, $0x4;
	s28 =	sshll.u32 s21, $0x7;
	[dreg:$0xb] =	wrdreg s12  }
0x18: {  	s9 =	sadd.s32 s20, s4;
	s1 =	sadd.s32 $0xA00, s1;
	[dreg:$0x12] =	wrdreg s7  }
0x19: {  	s2 =	smax.u32 s2, $0x1;
	s18 =	sadd.s32 s10, s4;
	[dreg:$0x14] =	wrdreg s9  }
0x1a: {  	s12 =	sadd.s32 $0x140, s8;
	s24 =	sadd.s32 s23, s6;
	[smem:$0x7FA] =	sst s1  }
0x1b: {  	s8 =	sadd.s32 $0xA0, s8;
	s14 =	sadd.s32 s6, s25;
	[smem:$0x7FB] =	sst s2  }
0x1c: {  	s7 =	sadd.s32 s28, s3;
	s9 =	sshll.u32 s21, $0x4;
	[dreg:$0xf] =	wrdreg s18  }
0x1d: {  	s10 =	sadd.s32 $0x140, s13;
	s21 =	sadd.s32 $0x230, s13;
	[dreg:$0x8] =	wrdreg s24  }
0x1e: {  	s23 =	sshrl.u32 s11, $0x3;
	s2 =	simm.s32 $0x15F90;
	[dreg:$0x13] =	wrdreg s14  }
0x1f: {  	s15 =	sshll.u32 s12, $0x4;
	s26 =	sshll.u32 s8, $0x4;
	[dreg:$0x15] =	wrdreg s7  }
0x20: {  	s7 =	sadd.s32 s9, s4;
	s14 =	sshll.u32 s10, $0x7;
	s18 =	sadd.s32 $0x1E0, s13  }
0x21: {  	s24 =	sadd.s32 s0, s23;
	s25 =	sshrl.u32 s12, $0x3;
	s12 =	simm.s32 $0x18790  }
0x22: {  	s23 =	simm.s32 $0x7;
	s22 =	sadd.s32 s15, s6;
	s6 =	sadd.s32 s26, s6  }
0x23: {  	[dreg:$0x16] =	wrdreg s7;
	s15 =	sadd.s32 $0x190, s13;
	s7 =	sadd.s32 s14, s3  }
0x24: {  	s19 =	sshll.u32 s18, $0x7;
	[dreg:$0x1f] =	wrdreg s24;
	s26 =	sshrl.u32 s8, $0x3  }
0x25: {  	s1 =	sadd.s32 s25, s0;
	s14 =	simm.s32 $0x1D7E0;
	[dreg:$0x7] =	wrdreg s22  }
0x26: {  	s24 =	simm.s32 $0x3;
	s25 =	simm.s32 $0x6;
	[dreg:$0x9] =	wrdreg s6  }
0x27: {  	s6 =	sshll.u32 s10, $0x4;
	[dreg:$0x17] =	wrdreg s7;
	s16 =	sshll.u32 s15, $0x7  }
0x28: {  	s17 =	sshll.u32 s15, $0x4;
	s7 =	sshll.u32 s18, $0x4;
	s22 =	sshll.u32 s21, $0x7  }
0x29: {  	[smem:$0x7FC] =	sst s1;
	s28 =	sadd.s32 s26, s0;
	s10 =	simm.s32 $0xB  }
0x2a: {  	s15 =	simm.s32 $0x1;
	s6 =	sadd.s32 s6, s4;
	[smem:$0x7FD] =	sst s28  }
0x2b: {  	s18 =	simm.s32 $0x1D880;
	s20 =	sadd.s32 s7, s4;
	[dreg:$0x18] =	wrdreg s6  }
0x2c: {  	s26 =	simm.s32 $0x8;
	s7 =	sadd.s32 s22, s3;
	[dreg:$0x1c] =	wrdreg s20  }
0x2d: {  	s22 =	simm.s32 $0xA;
	s6 =	sadd.s32 s16, s3;
	[dreg:$0x1d] =	wrdreg s7  }
0x2e: {  	s7 =	simm.s32 $0x1AF90;
	[dreg:$0x19] =	wrdreg s6;
	s6 =	sadd.s32 s17, s4  }
0x2f: {  	s16 =	simm.s32 $0x4;
	[dreg:$0x1a] =	wrdreg s6;
	s6 =	sadd.s32 s19, s3  }
0x30: {  	s20 =	simm.s32 $0x2;
	[dreg:$0x1b] =	wrdreg s6;
	s6 =	sshll.u32 s21, $0x4  }
0x31: {  	s17 =	simm.s32 $0x50;
	s19 =	simm.s32 $0x1D830;
	s6 =	sadd.s32 s6, s4  }
0x32: {  	v0 =	vimm.f32 $0.0e+00;
	v1 =	vimm.f32 $1.000000000e+00;
	s21 =	simm.s32 $0x5;
	[dreg:$0x1e] =	wrdreg s6;
	s6 =	simm.s32 $0x1D790  }
.LBB2_1:
0x33: {  	s1 =	rddreg [dreg:$0xa]  }
0x34: {  	[tilespmem:s2], [sflag:$0x1] =	stream.linear.gather [hbm4b:s1+s5], $0x2800, $0x38;
	[tilespmem:$0x1E280] =	vst v63  }
0x35: {  	s13 =	rddreg [dreg:$0xb];
	s28 =	simm.s32 $0x0  }
0x36: {  	[tilespmem:s6], [sflag:$0x4] =	stream.linear.gather [hbm4b:s13+s5], $0x50, $0x38;
	[tilespmem:$0x1E280] =	vst v63  }
0x37: {  	[tilespmem:s28+$0x1AFA0] =	vst v0  }
0x38: {  	[tilespmem:s28+$0x1AFB0] =	vst v0  }
0x39: {  	[tilespmem:s28+$0x1AFC0] =	vst v0  }
0x3a: {  	[tilespmem:s28+$0x1AFD0] =	vst v0  }
0x3b: {  	[tilespmem:s28+$0x1AFE0] =	vst v0  }
0x3c: {  	[tilespmem:s28+$0x1AFF0] =	vst v0  }
0x3d: {  	[tilespmem:s28+$0x1B000] =	vst v0  }
0x3e: {  	[tilespmem:s28+$0x1AF90] =	vst v0  }
0x3f: {  	s8 =	simm.s32 $0x200;
	s1 =	simm.s32 $0x1DD80;
	s13 =	simm.s32 $0x1D880;
	[tilespmem:s18+$0x0] =	vst v1  }
.LBB2_2:
0x40: {  	s28 =	sshra.s32 s8, $0x2;
	p0 =	sne.s32 s8, $0x9E00;
	[tilespmem:s1+$0x0] =	vst v0  }
0x41: {  	[tilespmem:s28+$0x1AFA0] =	vst v0  }
0x42: {  	[tilespmem:s28+$0x1AFB0] =	vst v0  }
0x43: {  	[tilespmem:s28+$0x1AFC0] =	vst v0  }
0x44: {  	[tilespmem:s28+$0x1AFD0] =	vst v0  }
.Ltmp0:
0x45: {  	[tilespmem:s28+$0x1AFE0] =	vst v0;
	(pc) =	sbr.rel @p0 .LBB2_2-.Ltmp0, $4  }
0x46: {  	[tilespmem:s28+$0x1AFF0] =	vst v0  }
0x47: {  	[tilespmem:s28+$0x1B000] =	vst v0  }
0x48: {  	s13 =	sadd.s32 $0x10, s13;
	[tilespmem:s28+$0x1AF90] =	vst v0  }
0x49: {  	s8 =	sadd.s32 $0x200, s8;
	s1 =	sadd.s32 $0x10, s1;
	[tilespmem:s13+$0x0] =	vst v1  }
0x4a: {  	[tilespmem:s1+$0x0] =	vst v0  }
0x4b: {  	[spmem:s30] =	stream.linear.scatter [tilespmem:s7], [sflag:$0xB], $0x2800, $0x38;
	[tilespmem:$0x1E280] =	vst v63  }
0x4c: {  	_ =	swait.ge [sflag:s10], $0x2800  }
0x4d: {  	[sflag:s10] =	ssyncset.done $0x0  }
0x4e: {  	s8 =	simm.s32 $0x1DD80;
	[sflag:s10] =	ssyncadd.s32 $0xFFFFD800  }
0x4f: {  	[spmem:s31] =	stream.linear.scatter [tilespmem:s8], [sflag:$0xB], $0x500, $0x38;
	[tilespmem:$0x1E280] =	vst v63  }
0x50: {  	_ =	swait.ge [sflag:s10], $0x500  }
0x51: {  	[sflag:s10] =	ssyncset.done $0x0  }
0x52: {  	s9 =	rddreg [dreg:$0xe];
	[sflag:s10] =	ssyncadd.s32 $0xFFFFFB00  }
0x53: {  	[spmem:s9] =	stream.linear.scatter [tilespmem:s7], [sflag:$0xB], $0x2800, $0x38;
	[tilespmem:$0x1E280] =	vst v63  }
0x54: {  	_ =	swait.ge [sflag:s10], $0x2800  }
0x55: {  	[sflag:s10] =	ssyncset.done $0x0  }
0x56: {  	s11 =	rddreg [dreg:$0xf];
	[sflag:s10] =	ssyncadd.s32 $0xFFFFD800  }
0x57: {  	[spmem:s11] =	stream.linear.scatter [tilespmem:s8], [sflag:$0xB], $0x500, $0x38;
	[tilespmem:$0x1E280] =	vst v63  }
0x58: {  	_ =	swait.ge [sflag:s10], $0x500  }
0x59: {  	[sflag:s10] =	ssyncset.done $0x0  }
0x5a: {  	s13 =	rddreg [dreg:$0x10];
	[sflag:s10] =	ssyncadd.s32 $0xFFFFFB00  }
0x5b: {  	[spmem:s13] =	stream.linear.scatter [tilespmem:s7], [sflag:$0xB], $0x2800, $0x38;
	[tilespmem:$0x1E280] =	vst v63  }
0x5c: {  	_ =	swait.ge [sflag:s10], $0x2800  }
0x5d: {  	[sflag:s10] =	ssyncset.done $0x0  }
0x5e: {  	s9 =	rddreg [dreg:$0x14];
	[sflag:s10] =	ssyncadd.s32 $0xFFFFD800  }
0x5f: {  	[spmem:s9] =	stream.linear.scatter [tilespmem:s8], [sflag:$0xB], $0x500, $0x38;
	[tilespmem:$0x1E280] =	vst v63  }
0x60: {  	_ =	swait.ge [sflag:s10], $0x500  }
0x61: {  	[sflag:s10] =	ssyncset.done $0x0  }
0x62: {  	s11 =	rddreg [dreg:$0x15];
	[sflag:s10] =	ssyncadd.s32 $0xFFFFFB00  }
0x63: {  	[spmem:s11] =	stream.linear.scatter [tilespmem:s7], [sflag:$0xB], $0x2800, $0x38;
	[tilespmem:$0x1E280] =	vst v63  }
0x64: {  	_ =	swait.ge [sflag:s10], $0x2800  }
0x65: {  	[sflag:s10] =	ssyncset.done $0x0  }
0x66: {  	s13 =	rddreg [dreg:$0x16];
	[sflag:s10] =	ssyncadd.s32 $0xFFFFD800  }
0x67: {  	[spmem:s13] =	stream.linear.scatter [tilespmem:s8], [sflag:$0xB], $0x500, $0x38;
	[tilespmem:$0x1E280] =	vst v63  }
0x68: {  	_ =	swait.ge [sflag:s10], $0x500  }
0x69: {  	[sflag:s10] =	ssyncset.done $0x0  }
0x6a: {  	s9 =	rddreg [dreg:$0x17];
	[sflag:s10] =	ssyncadd.s32 $0xFFFFFB00  }
0x6b: {  	[spmem:s9] =	stream.linear.scatter [tilespmem:s7], [sflag:$0xB], $0x2800, $0x38;
	[tilespmem:$0x1E280] =	vst v63  }
0x6c: {  	_ =	swait.ge [sflag:s10], $0x2800  }
0x6d: {  	[sflag:s10] =	ssyncset.done $0x0  }
0x6e: {  	s11 =	rddreg [dreg:$0x18];
	[sflag:s10] =	ssyncadd.s32 $0xFFFFD800  }
0x6f: {  	[spmem:s11] =	stream.linear.scatter [tilespmem:s8], [sflag:$0xB], $0x500, $0x38;
	[tilespmem:$0x1E280] =	vst v63  }
0x70: {  	_ =	swait.ge [sflag:s10], $0x500  }
0x71: {  	[sflag:s10] =	ssyncset.done $0x0  }
0x72: {  	s13 =	rddreg [dreg:$0x19];
	[sflag:s10] =	ssyncadd.s32 $0xFFFFFB00  }
0x73: {  	[spmem:s13] =	stream.linear.scatter [tilespmem:s7], [sflag:$0xB], $0x2800, $0x38;
	[tilespmem:$0x1E280] =	vst v63  }
0x74: {  	_ =	swait.ge [sflag:s10], $0x2800  }
0x75: {  	[sflag:s10] =	ssyncset.done $0x0  }
0x76: {  	s9 =	rddreg [dreg:$0x1a];
	[sflag:s10] =	ssyncadd.s32 $0xFFFFD800  }
0x77: {  	[spmem:s9] =	stream.linear.scatter [tilespmem:s8], [sflag:$0xB], $0x500, $0x38;
	[tilespmem:$0x1E280] =	vst v63  }
0x78: {  	_ =	swait.ge [sflag:s10], $0x500  }
0x79: {  	[sflag:s10] =	ssyncset.done $0x0  }
0x7a: {  	s11 =	rddreg [dreg:$0x1b];
	[sflag:s10] =	ssyncadd.s32 $0xFFFFFB00  }
0x7b: {  	[spmem:s11] =	stream.linear.scatter [tilespmem:s7], [sflag:$0xB], $0x2800, $0x38;
	[tilespmem:$0x1E280] =	vst v63  }
0x7c: {  	_ =	swait.ge [sflag:s10], $0x2800  }
0x7d: {  	[sflag:s10] =	ssyncset.done $0x0  }
0x7e: {  	s13 =	rddreg [dreg:$0x1c];
	[sflag:s10] =	ssyncadd.s32 $0xFFFFD800  }
0x7f: {  	[spmem:s13] =	stream.linear.scatter [tilespmem:s8], [sflag:$0xB], $0x500, $0x38;
	[tilespmem:$0x1E280] =	vst v63  }
0x80: {  	_ =	swait.ge [sflag:s10], $0x500  }
0x81: {  	[sflag:s10] =	ssyncset.done $0x0  }
0x82: {  	s9 =	rddreg [dreg:$0x1d];
	[sflag:s10] =	ssyncadd.s32 $0xFFFFFB00  }
0x83: {  	[spmem:s9] =	stream.linear.scatter [tilespmem:s7], [sflag:$0xB], $0x2080, $0x38;
	[tilespmem:$0x1E280] =	vst v63  }
0x84: {  	_ =	swait.ge [sflag:s10], $0x2080  }
0x85: {  	[sflag:s10] =	ssyncset.done $0x0  }
0x86: {  	s11 =	rddreg [dreg:$0x1e];
	[sflag:s10] =	ssyncadd.s32 $0xFFFFDF80  }
0x87: {  	[spmem:s11] =	stream.linear.scatter [tilespmem:s8], [sflag:$0xB], $0x410, $0x38;
	[tilespmem:$0x1E280] =	vst v63  }
0x88: {  	_ =	swait.ge [sflag:s10], $0x410  }
0x89: {  	[sflag:s10] =	ssyncset.done $0x0  }
0x8a: {  	[sflag:s10] =	ssyncadd.s32 $0xFFFFFBF0  }
0x8b: {  	[bflag:$0x0] =	sbarrier.arrive $0xFFFF  }
0x8c: {  	s13 =	simm.s32 $0x0;
	s9 =	rddreg [dreg:$0x13]  }
0x8d: {  	[tilespmem:s12], [sflag:$0x2] =	stream.linear.gather [hbm4b:s9+s13], $0x2800, $0x38;
	[tilespmem:$0x1E280] =	vst v63  }
0x8e: {  	s11 =	rddreg [dreg:$0x1f]  }
0x8f: {  	[tilespmem:s14], [sflag:$0x5] =	stream.linear.gather [hbm4b:s11+s13], $0x50, $0x38;
	[tilespmem:$0x1E280] =	vst v63  }
0x90: {  	_ =	swait.ge [sflag:s15], $0x2800  }
0x91: {  	[sflag:s15] =	ssyncset.done $0x0  }
0x92: {  	[sflag:s15] =	ssyncadd.s32 $0xFFFFD800  }
0x93: {  	_ =	swait.ge [sflag:s16], $0x50  }
0x94: {  	[sflag:s16] =	ssyncset.done $0x0  }
0x95: {  	p0 =	por $0x1, $0x1;
	[sflag:s16] =	ssyncadd.s32 $0xFFFFFFB0  }
0x96: {  	[spmem:s3] =	stream.indirect.scatter.add.f32 [tilespmem:s2], [sflag:$0x7], $0x80, s6, s17, $0xb8;
	[tilespmem:$0x1E280] =	vst v63  }
0x97: {  	s1 =	simm.s32 @!p0 $0xA  }
0x98: {  	[spmem:s4] =	stream.indirect.scatter.add.f32 [tilespmem:s18], [sflag:$0xA], $0x10, s6, s17, $0xb8;
	[tilespmem:$0x1E280] =	vst v63  }
0x99: {  	_ =	swait.ge @!p0 [sflag:s1], $0x500  }
0x9a: {  	[sflag:s1] =	ssyncset.done @!p0 $0x0  }
0x9b: {  	s8 =	simm.s32 @!p0 $0x9;
	[sflag:s1] =	ssyncadd.s32 @!p0 $0xFFFFFB00  }
0x9c: {  	_ =	swait.ge @!p0 [sflag:s8], $0x2800  }
0x9d: {  	s13 =	rddreg [dreg:$0x9];
	[sflag:s8] =	ssyncset.done @!p0 $0x0  }
0x9e: {  	s9 =	sld [smem:$0x7FD];
	[sflag:s8] =	ssyncadd.s32 @!p0 $0xFFFFD800;
	s1 =	sadd.s32 $0x0, s13  }
0x9f: {  	[tilespmem:s7], [sflag:$0x3] =	stream.linear.gather [hbm4b:s1+s5], $0x2800, $0x38;
	[tilespmem:$0x1E280] =	vst v63  }
0xa0: {  	_ = 	snop  }
0xa1: {  	[tilespmem:s19], [sflag:$0x6] =	stream.linear.gather [hbm4b:s9+s5], $0x50, $0x38;
	[tilespmem:$0x1E280] =	vst v63  }
0xa2: {  	_ =	swait.ge [sflag:s20], $0x2800  }
0xa3: {  	[sflag:s20] =	ssyncset.done $0x0  }
0xa4: {  	[sflag:s20] =	ssyncadd.s32 $0xFFFFD800  }
0xa5: {  	_ =	swait.ge [sflag:s21], $0x50  }
0xa6: {  	[sflag:s21] =	ssyncset.done $0x0  }
0xa7: {  	[sflag:s21] =	ssyncadd.s32 $0xFFFFFFB0  }
0xa8: {  	[spmem:s3] =	stream.indirect.scatter.add.f32 [tilespmem:s12], [sflag:$0x8], $0x80, s14, s17, $0xb8;
	[tilespmem:$0x1E280] =	vst v63  }
0xa9: {  	_ = 	snop  }
0xaa: {  	[spmem:s4] =	stream.indirect.scatter.add.f32 [tilespmem:s18], [sflag:$0xA], $0x10, s14, s17, $0xb8;
	[tilespmem:$0x1E280] =	vst v63  }
0xab: {  	_ =	swait.ge [sflag:s22], $0x500  }
0xac: {  	[sflag:s22] =	ssyncset.done $0x0  }
0xad: {  	[sflag:s22] =	ssyncadd.s32 $0xFFFFFB00  }
0xae: {  	_ =	swait.ge [sflag:s23], $0x2800  }
0xaf: {  	s8 =	rddreg [dreg:$0x8]  }
0xb0: {  	[sflag:s23] =	ssyncset.done $0x0;
	s13 =	rddreg [dreg:$0x11]  }
0xb1: {  	[sflag:s23] =	ssyncadd.s32 $0xFFFFD800;
	s1 =	sadd.s32 $0x0, s8;
	s11 =	sshrl.u32 s13, $0x3  }
0xb2: {  	[tilespmem:s2], [sflag:$0x1] =	stream.linear.gather [hbm4b:s1+s5], $0x2800, $0x38;
	[tilespmem:$0x1E280] =	vst v63  }
0xb3: {  	s8 =	sadd.s32 s0, s11  }
0xb4: {  	[tilespmem:s6], [sflag:$0x4] =	stream.linear.gather [hbm4b:s8+s5], $0x50, $0x38;
	[tilespmem:$0x1E280] =	vst v63  }
0xb5: {  	_ =	swait.ge [sflag:s24], $0x2800  }
0xb6: {  	[sflag:s24] =	ssyncset.done $0x0  }
0xb7: {  	[sflag:s24] =	ssyncadd.s32 $0xFFFFD800  }
0xb8: {  	_ =	swait.ge [sflag:s25], $0x50  }
0xb9: {  	[sflag:s25] =	ssyncset.done $0x0  }
0xba: {  	[sflag:s25] =	ssyncadd.s32 $0xFFFFFFB0  }
0xbb: {  	[spmem:s3] =	stream.indirect.scatter.add.f32 [tilespmem:s7], [sflag:$0x9], $0x80, s19, s17, $0xb8;
	[tilespmem:$0x1E280] =	vst v63  }
0xbc: {  	_ = 	snop  }
0xbd: {  	[spmem:s4] =	stream.indirect.scatter.add.f32 [tilespmem:s18], [sflag:$0xA], $0x10, s19, s17, $0xb8;
	[tilespmem:$0x1E280] =	vst v63  }
0xbe: {  	_ =	swait.ge [sflag:s22], $0x500  }
0xbf: {  	[sflag:s22] =	ssyncset.done $0x0  }
0xc0: {  	[sflag:s22] =	ssyncadd.s32 $0xFFFFFB00  }
0xc1: {  	_ =	swait.ge [sflag:s26], $0x2800  }
0xc2: {  	s11 =	rddreg [dreg:$0x7]  }
0xc3: {  	[sflag:s26] =	ssyncset.done $0x0;
	s8 =	sld [smem:$0x7FC]  }
0xc4: {  	[sflag:s26] =	ssyncadd.s32 $0xFFFFD800;
	s1 =	sadd.s32 $0x0, s11  }
0xc5: {  	[tilespmem:s12], [sflag:$0x2] =	stream.linear.gather [hbm4b:s1+s5], $0x2800, $0x38;
	[tilespmem:$0x1E280] =	vst v63  }
0xc6: {  	s30 =	simm.s32 $0xF00;
	s28 =	sadd.s32 $0x1E, s9;
	s31 =	smov.u32 s8  }
.LBB2_4:
0xc7: {  	[tilespmem:s14], [sflag:$0x5] =	stream.linear.gather [hbm4b:s8+s5], $0x50, $0x38;
	[tilespmem:$0x1E280] =	vst v63  }
0xc8: {  	_ =	swait.ge [sflag:s15], $0x2800  }
0xc9: {  	[sflag:s15] =	ssyncset.done $0x0  }
0xca: {  	[sflag:s15] =	ssyncadd.s32 $0xFFFFD800  }
0xcb: {  	_ =	swait.ge [sflag:s16], $0x50  }
0xcc: {  	s1 =	smov.u32 s30;
	[sflag:s16] =	ssyncset.done $0x0  }
0xcd: {  	p1 =	seq.s32 s1, $0x0;
	[sflag:s16] =	ssyncadd.s32 $0xFFFFFFB0  }
0xce: {  	[spmem:s3] =	stream.indirect.scatter.add.f32 [tilespmem:s2], [sflag:$0x7], $0x80, s6, s17, $0xb8;
	[tilespmem:$0x1E280] =	vst v63  }
0xcf: {  	s9 =	simm.s32 @!p1 $0xA  }
0xd0: {  	[spmem:s4] =	stream.indirect.scatter.add.f32 [tilespmem:s18], [sflag:$0xA], $0x10, s6, s17, $0xb8;
	[tilespmem:$0x1E280] =	vst v63  }
0xd1: {  	_ =	swait.ge @!p1 [sflag:s9], $0x500  }
0xd2: {  	[sflag:s9] =	ssyncset.done @!p1 $0x0  }
0xd3: {  	s11 =	simm.s32 @!p1 $0x9;
	[sflag:s9] =	ssyncadd.s32 @!p1 $0xFFFFFB00  }
0xd4: {  	_ =	swait.ge @!p1 [sflag:s11], $0x2800  }
0xd5: {  	s9 =	rddreg [dreg:$0x9];
	[sflag:s11] =	ssyncset.done @!p1 $0x0  }
0xd6: {  	[sflag:s11] =	ssyncadd.s32 @!p1 $0xFFFFD800;
	s9 =	sadd.s32 s1, s9  }
0xd7: {  	[tilespmem:s7], [sflag:$0x3] =	stream.linear.gather [hbm4b:s9+s5], $0x2800, $0x38;
	[tilespmem:$0x1E280] =	vst v63  }
0xd8: {  	_ = 	snop  }
0xd9: {  	[tilespmem:s19], [sflag:$0x6] =	stream.linear.gather [hbm4b:s28+s5], $0x50, $0x38;
	[tilespmem:$0x1E280] =	vst v63  }
0xda: {  	_ =	swait.ge [sflag:s20], $0x2800  }
0xdb: {  	[sflag:s20] =	ssyncset.done $0x0  }
0xdc: {  	[sflag:s20] =	ssyncadd.s32 $0xFFFFD800  }
0xdd: {  	_ =	swait.ge [sflag:s21], $0x50  }
0xde: {  	[sflag:s21] =	ssyncset.done $0x0  }
0xdf: {  	[sflag:s21] =	ssyncadd.s32 $0xFFFFFFB0  }
0xe0: {  	[spmem:s3] =	stream.indirect.scatter.add.f32 [tilespmem:s12], [sflag:$0x8], $0x80, s14, s17, $0xb8;
	[tilespmem:$0x1E280] =	vst v63  }
0xe1: {  	_ = 	snop  }
0xe2: {  	[spmem:s4] =	stream.indirect.scatter.add.f32 [tilespmem:s18], [sflag:$0xA], $0x10, s14, s17, $0xb8;
	[tilespmem:$0x1E280] =	vst v63  }
0xe3: {  	_ =	swait.ge [sflag:s22], $0x500  }
0xe4: {  	[sflag:s22] =	ssyncset.done $0x0  }
0xe5: {  	[sflag:s22] =	ssyncadd.s32 $0xFFFFFB00  }
0xe6: {  	_ =	swait.ge [sflag:s23], $0x2800  }
0xe7: {  	s13 =	sadd.s32 $0xF0, s13;
	s11 =	rddreg [dreg:$0x8];
	[sflag:s23] =	ssyncset.done $0x0  }
0xe8: {  	[sflag:s23] =	ssyncadd.s32 $0xFFFFD800;
	s9 =	sadd.s32 s1, s11;
	s11 =	sshrl.u32 s13, $0x3  }
0xe9: {  	[tilespmem:s2], [sflag:$0x1] =	stream.linear.gather [hbm4b:s9+s5], $0x2800, $0x38;
	[tilespmem:$0x1E280] =	vst v63  }
0xea: {  	s11 =	sadd.s32 s0, s11  }
0xeb: {  	[tilespmem:s6], [sflag:$0x4] =	stream.linear.gather [hbm4b:s11+s5], $0x50, $0x38;
	[tilespmem:$0x1E280] =	vst v63  }
0xec: {  	_ =	swait.ge [sflag:s24], $0x2800  }
0xed: {  	[sflag:s24] =	ssyncset.done $0x0  }
0xee: {  	[sflag:s24] =	ssyncadd.s32 $0xFFFFD800  }
0xef: {  	_ =	swait.ge [sflag:s25], $0x50  }
0xf0: {  	[sflag:s25] =	ssyncset.done $0x0  }
0xf1: {  	[sflag:s25] =	ssyncadd.s32 $0xFFFFFFB0  }
0xf2: {  	[spmem:s3] =	stream.indirect.scatter.add.f32 [tilespmem:s7], [sflag:$0x9], $0x80, s19, s17, $0xb8;
	[tilespmem:$0x1E280] =	vst v63  }
0xf3: {  	_ = 	snop  }
0xf4: {  	[spmem:s4] =	stream.indirect.scatter.add.f32 [tilespmem:s18], [sflag:$0xA], $0x10, s19, s17, $0xb8;
	[tilespmem:$0x1E280] =	vst v63  }
0xf5: {  	s30 =	sadd.s32 $0xF00, s30;
	_ =	swait.ge [sflag:s22], $0x500  }
0xf6: {  	p0 =	sne.s32 s30, $0x26700;
	[sflag:s22] =	ssyncset.done $0x0  }
.Ltmp1:
0xf7: {  	[sflag:s22] =	ssyncadd.s32 $0xFFFFFB00;
	(pc) =	sbr.rel @p0 .LBB2_4-.Ltmp1, $4  }
0xf8: {  	s31 =	sadd.s32 $0x1E, s31;
	_ =	swait.ge [sflag:s26], $0x2800  }
0xf9: {  	s8 =	smov.u32 s31;
	s11 =	rddreg [dreg:$0x7];
	[sflag:s26] =	ssyncset.done $0x0  }
0xfa: {  	s28 =	sadd.s32 $0x1E, s28;
	[sflag:s26] =	ssyncadd.s32 $0xFFFFD800;
	s1 =	sadd.s32 s1, s11  }
0xfb: {  	[tilespmem:s12], [sflag:$0x2] =	stream.linear.gather [hbm4b:s1+s5], $0x2800, $0x38;
	[tilespmem:$0x1E280] =	vst v63  }
0xfc: {  	[tilespmem:s14], [sflag:$0x5] =	stream.linear.gather [hbm4b:s8+s5], $0x50, $0x38;
	[tilespmem:$0x1E280] =	vst v63  }
0xfd: {  	_ =	swait.ge [sflag:s15], $0x2800  }
0xfe: {  	[sflag:s15] =	ssyncset.done $0x0  }
0xff: {  	[sflag:s15] =	ssyncadd.s32 $0xFFFFD800  }
0x100: {  	_ =	swait.ge [sflag:s16], $0x50  }
0x101: {  	[sflag:s16] =	ssyncset.done $0x0  }
0x102: {  	[sflag:s16] =	ssyncadd.s32 $0xFFFFFFB0  }
0x103: {  	[spmem:s3] =	stream.indirect.scatter.add.f32 [tilespmem:s2], [sflag:$0x7], $0x80, s6, s17, $0xb8;
	[tilespmem:$0x1E280] =	vst v63  }
0x104: {  	_ = 	snop  }
0x105: {  	[spmem:s4] =	stream.indirect.scatter.add.f32 [tilespmem:s18], [sflag:$0xA], $0x10, s6, s17, $0xb8;
	[tilespmem:$0x1E280] =	vst v63  }
0x106: {  	_ =	swait.ge [sflag:s22], $0x500  }
0x107: {  	[sflag:s22] =	ssyncset.done $0x0  }
0x108: {  	s1 =	simm.s32 $0x9;
	[sflag:s22] =	ssyncadd.s32 $0xFFFFFB00  }
0x109: {  	_ =	swait.ge [sflag:s1], $0x2800  }
0x10a: {  	[sflag:s1] =	ssyncset.done $0x0  }
0x10b: {  	[sflag:s1] =	ssyncadd.s32 $0xFFFFD800  }
0x10c: {  	_ =	swait.ge [sflag:s20], $0x2800  }
0x10d: {  	[sflag:s20] =	ssyncset.done $0x0  }
0x10e: {  	[sflag:s20] =	ssyncadd.s32 $0xFFFFD800  }
0x10f: {  	_ =	swait.ge [sflag:s21], $0x50  }
0x110: {  	[sflag:s21] =	ssyncset.done $0x0  }
0x111: {  	[sflag:s21] =	ssyncadd.s32 $0xFFFFFFB0  }
0x112: {  	[spmem:s3] =	stream.indirect.scatter.add.f32 [tilespmem:s12], [sflag:$0x8], $0x80, s14, s17, $0xb8;
	[tilespmem:$0x1E280] =	vst v63  }
0x113: {  	_ = 	snop  }
0x114: {  	[spmem:s4] =	stream.indirect.scatter.add.f32 [tilespmem:s18], [sflag:$0xA], $0x10, s14, s17, $0xb8;
	[tilespmem:$0x1E280] =	vst v63  }
0x115: {  	_ =	swait.ge [sflag:s22], $0x500  }
0x116: {  	[sflag:s22] =	ssyncset.done $0x0  }
0x117: {  	[sflag:s22] =	ssyncadd.s32 $0xFFFFFB00  }
0x118: {  	_ =	swait.ge [sflag:s23], $0x2800  }
0x119: {  	[sflag:s23] =	ssyncset.done $0x0  }
0x11a: {  	[sflag:s23] =	ssyncadd.s32 $0xFFFFD800  }
0x11b: {  	_ =	swait.ge [sflag:s26], $0x2800  }
0x11c: {  	[sflag:s26] =	ssyncset.done $0x0  }
0x11d: {  	[sflag:s26] =	ssyncadd.s32 $0xFFFFD800  }
0x11e: {  	_ =	swait.ge [sflag:s22], $0x500  }
0x11f: {  	[sflag:s22] =	ssyncset.done $0x0  }
0x120: {  	[sflag:s22] =	ssyncadd.s32 $0xFFFFFB00  }
0x121: {  	[bflag:$0x0] =	sbarrier.arrive $0xFFFF  }
0x122: {  	s13 =	stileid.u32;
	s9 =	sld [smem:$0x7FA]  }
0x123: {  	s1 =	sshll.u32 s13, $0x6;
	s30 =	rddreg [dreg:$0xc]  }
0x124: {  	s1 =	sor.u32 $0x1C0B, s1;
	s28 =	sshrl.u32 s30, $0x3  }
0x125: {  	[hbm:s9], [sflag:s1] =	dma.local [spmem:s28], $0x2710  }
0x126: {  	_ =	swait.ge [sflag:s10], $0x2710  }
0x127: {  	[sflag:s10] =	ssyncset.done $0x0;
	s31 =	rddreg [dreg:$0xd]  }
0x128: {  	s13 =	rddreg [dreg:$0x12];
	[sflag:s10] =	ssyncadd.s32 $0xFFFFD8F0;
	s11 =	sshrl.u32 s31, $0x3  }
0x129: {  	[hbm:s13], [sflag:s1] =	dma.local [spmem:s11], $0x4E2  }
0x12a: {  	_ =	swait.ge [sflag:s10], $0x4E2  }
0x12b: {  	s28 =	sld [smem:$0x7FB];
	_ =	sdelay $0x1  }
0x12c: {  	s29 =	sadd.s32 $0x1, s29  }
0x12d: {  	p0 =	sne.s32 s29, s28  }
.Ltmp2:
0x12e: {  	_ = 	snop;
	(pc) =	sbr.rel @p0 .LBB2_1-.Ltmp2, $3  }
0x12f: {  	_ =	sdelay $0x1  }
0x130: {  	[sflag:s10] =	ssyncset.done $0x0  }
0x131: {  	[sflag:s10] =	ssyncadd.s32 $0xFFFFFB1E  }
0x132: {  	_ =	sfence.sel $0x180000  }
0x133: {  	[bflag:$0x0] =	sbarrier.arrive $0xFFFF  }
0x134: {  	_ =	strace $0x90000047  }
0x135: {  	s0 =	stileid.u32;
	[bflag:$0x2] =	sbarrier.arrive $0xFFFF  }
0x136: {  	p0 =	sne.s32 s0, $0x0;
	s0 =	rddreg [dreg:$0x6]  }
0x137: {  	s0 =	sadd.s32 @!p0 $0x100000, s0  }
0x138: {  	[sflag:s0] =	ssyncadd.tile.s32 @!p0 $0x1;
	_ =	shalt  }
.Lfunc_end2:
_tile_overlayer_lowered:
.L_overlay_start_2:
0x139: {  	(tag) =	ssettag $0x2  }
0x13a: {  	s0 =	rddreg [dreg:$0x0];
	s2 =	stileid.u32  }
0x13b: {  	s1 =	rddreg [dreg:$0x1];
	p0 =	sne.s32 s2, $0x0  }
0x13c: {  	s3 =	rddreg [dreg:$0x2];
	[bflag:$0x3] =	sbarrier.arrive $0xFFFF;
	s2 =	simm.s32 @!p0 $0x1C0B  }
0x13d: {  	[timem:s3], [sflag:s2] =	dma.local @!p0 [hbm:s0], s1  }
0x13e: {  	s0 =	simm.s32 @!p0 $0xB  }
0x13f: {  	_ =	swait.ge @!p0 [sflag:s0], s1  }
0x140: {  	s1 =	ssub.s32 @!p0 $0x0, s1;
	[sflag:s0] =	ssyncset.done @!p0 $0x0  }
0x141: {  	[sflag:s0] =	ssyncadd.s32 @!p0 s1  }
0x142: {  	[bflag:$0x3] =	sbarrier.arrive $0xFFFF  }
0x143: {  	_ =	shalt  }

</sc_bundles>
